<compile_context>
chip_gen: v7x
topology: tpu7x:2x2x1
jax: 0.10.2.dev20260603
libtpu: 0.0.44.dev20260713+nightly
codegen_flags: <defaults>
</compile_context>

<pallas_src>
import functools

import jax
import jax.numpy as jnp
from jax import lax
from jax.experimental import pallas as pl
from jax.experimental.pallas import tpu as pltpu
from jax.experimental.pallas import tpu_sc as plsc

BQ = 128
D = 768
VN = 100000
K = 80
TILE = 2048
NT = 53
C = 128
NEG_INF = float('-inf')

NT = (VN + TILE - 1) // TILE
NPAD = NT * TILE
NBLK = NPAD // C
NCAND = K * C

_f32 = jnp.float32
_PROBE = 0


def _mlp_body(pos_ref, neg_ref, neut_ref, w1, b1, w2, b2, w3, b3, w4, b4,
              out_ref):
    def pool(ref, n):
        s = ref[:, 0, :]
        for i in range(1, n):
            s = s + ref[:, i, :]
        m = s * (1.0 / n)
        nn = jnp.sqrt(jnp.sum(m * m, axis=1, keepdims=True))
        return m / jnp.maximum(nn, 1e-12)

    x = jnp.concatenate(
        [pool(neg_ref, 8), pool(neut_ref, 7), pool(pos_ref, 9)], axis=1)

    def dense(h, w, b, relu=True):
        y = lax.dot_general(h, w[...], (((1,), (1,)), ((), ())),
                            preferred_element_type=_f32) + b[...]
        return jnp.maximum(y, 0.0) if relu else y

    h = dense(x, w1, b1)
    h = dense(h, w2, b2)
    h = dense(h, w3, b3)
    y = dense(h, w4, b4, relu=False)
    nn = jnp.sqrt(jnp.sum(y * y, axis=1, keepdims=True))
    out_ref[...] = y / jnp.maximum(nn, 1e-12)


def _run_mlp(pos, neg, neut, W1, b1, W2, b2, W3, b3, W4, b4):
    return pl.pallas_call(
        _mlp_body,
        out_shape=jax.ShapeDtypeStruct((BQ, D), _f32),
    )(pos, neg, neut, W1, b1.reshape(1, -1), W2, b2.reshape(1, -1),
      W3, b3.reshape(1, -1), W4, b4.reshape(1, -1))


def _sims_body(mo_ref, vocab_ref, sims_ref, bmax_ref):
    i = pl.program_id(0)
    v = vocab_ref[...]
    nrm = jnp.sqrt(jnp.sum(v * v, axis=1, keepdims=True))
    vn = v / jnp.maximum(nrm, 1e-12)
    cos = lax.dot_general(mo_ref[...], vn, (((1,), (1,)), ((), ())),
                          preferred_element_type=_f32)
    col = i * TILE + lax.broadcasted_iota(jnp.int32, (BQ, TILE), 1)
    cos = jnp.where(col < VN, cos, NEG_INF)
    sims_ref[...] = cos
    parts = [jnp.max(cos[:, j * C:(j + 1) * C], axis=1, keepdims=True)
             for j in range(TILE // C)]
    bmax_ref[0] = jnp.concatenate(parts, axis=1)


def _run_sims(model_out, vocab):
    return pl.pallas_call(
        _sims_body,
        grid=(NT,),
        in_specs=[
            pl.BlockSpec((BQ, D), lambda i: (0, 0)),
            pl.BlockSpec((TILE, D), lambda i: (i, 0)),
        ],
        out_specs=[
            pl.BlockSpec((BQ, TILE), lambda i: (0, i)),
            pl.BlockSpec((1, BQ, TILE // C), lambda i: (i, 0, 0)),
        ],
        out_shape=[
            jax.ShapeDtypeStruct((BQ, NPAD), _f32),
            jax.ShapeDtypeStruct((NT, BQ, TILE // C), _f32),
        ],
    )(model_out, vocab)


def _topk_body(vals_ref, cols_ref, out_ref, *, k):
    vals0 = vals_ref[...]
    cols = cols_ref[...]
    n = vals0.shape[1]
    kcols = lax.broadcasted_iota(jnp.int32, (BQ, k), 1)
    big = 2147483647

    def body(t, carry):
        vals, out = carry
        m = jnp.max(vals, axis=1, keepdims=True)
        sel = jnp.min(jnp.where(vals == m, cols, big), axis=1,
                      keepdims=True)
        out = jnp.where(kcols == t, sel, out)
        vals = jnp.where(cols == sel, NEG_INF, vals)
        return vals, out

    _, out = lax.fori_loop(0, k, body,
                           (vals0, jnp.zeros((BQ, k), jnp.int32)))
    out_ref[...] = out


def _run_topk(vals, cols, k):
    return pl.pallas_call(
        functools.partial(_topk_body, k=k),
        out_shape=jax.ShapeDtypeStruct((BQ, k), jnp.int32),
    )(vals, cols)


NWORKERS = 32


def _make_sc_gather(nrows, width, nchunk):
    per_w = nrows // NWORKERS
    per_c = per_w // nchunk
    mesh = plsc.VectorSubcoreMesh(core_axis_name="c", subcore_axis_name="s")

    @functools.partial(
        pl.kernel,
        mesh=mesh,
        out_type=jax.ShapeDtypeStruct((nrows, width), _f32),
        scratch_types=[
            pltpu.VMEM((per_c,), jnp.int32),
            pltpu.VMEM((per_c, width), _f32),
            pltpu.SemaphoreType.DMA,
        ],
    )
    def gather(table_hbm, idx_hbm, out_hbm, idx_v, rows_v, sem):
        wid = lax.axis_index("s") * 2 + lax.axis_index("c")
        for c in range(nchunk):
            base = wid * per_w + c * per_c
            pltpu.sync_copy(idx_hbm.at[pl.ds(base, per_c)], idx_v)
            pltpu.async_copy(table_hbm.at[idx_v], rows_v, sem).wait()
            pltpu.sync_copy(rows_v, out_hbm.at[pl.ds(base, per_c)])

    return gather


def _gather_rows_sc(table, idx, nchunk):
    g = _make_sc_gather(idx.shape[0], table.shape[1], nchunk)
    return g(table, idx)


QG = 16
NPOS, NNEG, NNEUT = 9, 8, 7
NCAT = NPOS + NNEG + NNEUT
KH = K // 2


def _scores_body(we_ref, pos_ref, neg_ref, neut_ref,
                 srch_ref, emax_ref, emin_ref):
    we = we_ref[...]
    cats = jnp.concatenate([pos_ref[...], neg_ref[...], neut_ref[...]],
                           axis=1)
    GQ = 4
    NR, NC2 = GQ * K, GQ * NCAT
    ri = lax.broadcasted_iota(jnp.int32, (NR, NC2), 0)
    ci = lax.broadcasted_iota(jnp.int32, (NR, NC2), 1)
    valid = (ri // K) == (ci // NCAT)
    c24 = ci - (ci // NCAT) * NCAT
    tot_parts = []
    for g in range(QG // GQ):
        weg = we[g * GQ:(g + 1) * GQ].reshape(NR, D)
        catg = cats[g * GQ:(g + 1) * GQ]
        catsg = catg.reshape(NC2, D)
        dots = lax.dot_general(weg, catsg, (((1,), (1,)), ((), ())),
                               preferred_element_type=_f32,
                               precision=lax.Precision.HIGHEST)
        wn = jnp.maximum(jnp.sqrt(jnp.sum(weg * weg, axis=1, keepdims=True)),
                         1e-8)
        cn = jnp.maximum(jnp.sqrt(jnp.sum(catg * catg, axis=2)),
                         1e-8).reshape(1, NC2)
        scores = dots / (wn * cn)
        max_other = jnp.max(jnp.where(valid & (c24 >= NPOS), scores,
                                      NEG_INF), axis=1, keepdims=True)
        num_correct = jnp.sum(
            jnp.where(valid & (c24 < NPOS) & (scores >= max_other), 1.0,
                      0.0), axis=1, keepdims=True)
        max_neg = jnp.max(
            jnp.where(valid & (c24 >= NPOS) & (c24 < NPOS + NNEG), scores,
                      NEG_INF), axis=1, keepdims=True)
        max_neut = jnp.max(
            jnp.where(valid & (c24 >= NPOS + NNEG), scores, NEG_INF),
            axis=1, keepdims=True)
        secondary = jnp.where(max_neut > max_neg, 1.0, 0.0)
        tot_parts.append((num_correct + secondary).reshape(GQ, K))
    tot = jnp.concatenate(tot_parts, axis=0)

    kcol = lax.broadcasted_iota(jnp.int32, (QG, K), 1).astype(_f32)
    key_max = tot * 128.0 + (127.0 - kcol)
    key_min = (10.0 - tot) * 128.0 + (127.0 - kcol)

    def rank(key):
        return jnp.sum((key[:, None, :] > key[:, :, None]).astype(_f32),
                       axis=2)

    rank_max = rank(key_max)
    rank_min = rank(key_min)
    one0 = jnp.where(rank_max < 1.0, 1.0, 0.0)
    mask_max = jnp.where(rank_max < float(KH), 1.0, 0.0)
    mask_min = jnp.where(rank_min < float(KH), 1.0, 0.0)

    def combine(mask):
        return jnp.sum(we * mask[:, :, None], axis=1)

    srch_ref[...] = combine(one0)

    def pooled(mask):
        s = combine(mask) * (1.0 / KH)
        nn = jnp.sqrt(jnp.sum(s * s, axis=1, keepdims=True))
        return s / jnp.maximum(nn, 1e-12)

    emax_ref[...] = pooled(mask_max)
    emin_ref[...] = pooled(mask_min)


def _run_scores(we, pos, neg, neut):
    nsteps = BQ // QG
    return pl.pallas_call(
        _scores_body,
        grid=(nsteps,),
        in_specs=[
            pl.BlockSpec((QG, K, D), lambda i: (i, 0, 0)),
            pl.BlockSpec((QG, NPOS, D), lambda i: (i, 0, 0)),
            pl.BlockSpec((QG, NNEG, D), lambda i: (i, 0, 0)),
            pl.BlockSpec((QG, NNEUT, D), lambda i: (i, 0, 0)),
        ],
        out_specs=[
            pl.BlockSpec((QG, D), lambda i: (i, 0)),
            pl.BlockSpec((QG, D), lambda i: (i, 0)),
            pl.BlockSpec((QG, D), lambda i: (i, 0)),
        ],
        out_shape=[
            jax.ShapeDtypeStruct((BQ, D), _f32),
            jax.ShapeDtypeStruct((BQ, D), _f32),
            jax.ShapeDtypeStruct((BQ, D), _f32),
        ],
    )(we, pos, neg, neut)


def kernel(pos_embs, neg_embs, neut_embs, W1, b1, W2, b2, W3, b3, W4, b4,
           vocab_table):
    model_out = _run_mlp(pos_embs, neg_embs, neut_embs,
                         W1, b1, W2, b2, W3, b3, W4, b4)

    sims, bmax = _run_sims(model_out, vocab_table)
    if _PROBE == 1:
        z = sims[:, :D] + bmax.reshape(-1)[0]
        return (model_out, z, z, z)
    bmax2 = bmax.transpose(1, 0, 2).reshape(BQ, NBLK)

    blk_cols = jnp.broadcast_to(jnp.arange(NBLK, dtype=jnp.int32)[None, :],
                                (BQ, NBLK))
    blkid = _run_topk(bmax2, blk_cols, K)

    rowid = (blkid + jnp.arange(BQ, dtype=jnp.int32)[:, None] * NBLK
             ).reshape(-1)
    cand = _gather_rows_sc(sims.reshape(BQ * NBLK, C), rowid, nchunk=1)
    cand = cand.reshape(BQ, NCAND)
    cand_cols = (blkid[:, :, None] * C
                 + jnp.arange(C, dtype=jnp.int32)[None, None, :]
                 ).reshape(BQ, NCAND)
    idx = _run_topk(cand, cand_cols, K)
    if _PROBE == 2:
        z = idx.astype(_f32) @ jnp.ones((K, D), _f32)
        return (model_out, z, z, z)

    we = _gather_rows_sc(vocab_table, idx.reshape(-1), nchunk=4)
    we = we.reshape(BQ, K, D)
    if _PROBE == 3:
        return (model_out, we[:, 0], we[:, 1], we[:, 2])

    search_out, emb_max_pooled, emb_min_pooled = _run_scores(
        we, pos_embs, neg_embs, neut_embs)
    return (model_out, search_out, emb_max_pooled, emb_min_pooled)

# --- scband reference (transcript-rebuilt; emitter-appended) ---
"""Pipeline reference for scband-morspy-master-small-51135880626461 (READ-ONLY COPY).

The authoritative reference and input builder live on the scoring server;
editing this copy changes nothing except your own understanding.
"""

import jax, jax.numpy as jnp
import numpy as np

VOCAB_N = 100000
D = 768
VOCAB_SIZE = 80
NEUT_WEIGHT = 1.0
NEG_WEIGHT = 0.0


def _normalize(x, axis=1, eps=1e-12):
    n = jnp.linalg.norm(x, axis=axis, keepdims=True)
    return x / jnp.maximum(n, eps)


def _process(embs):
    return _normalize(jnp.mean(embs, axis=1), axis=1)


def _cos(a, b, axis):
    num = jnp.sum(a * b, axis=axis)
    na = jnp.maximum(jnp.linalg.norm(a, axis=axis), 1e-8)
    nb = jnp.maximum(jnp.linalg.norm(b, axis=axis), 1e-8)
    return num / (na * nb)


def setup_inputs(seed: int = 0) -> dict:
    key = jax.random.key(seed)
    ks = jax.random.split(key, 12)
    B = 128
    pos_embs = jax.random.normal(ks[0], (B, 9, D), dtype=jnp.float32)
    neg_embs = jax.random.normal(ks[1], (B, 8, D), dtype=jnp.float32)
    neut_embs = jax.random.normal(ks[2], (B, 7, D), dtype=jnp.float32)
    W1 = jax.random.normal(ks[3], (1800, 2304), dtype=jnp.float32) * 0.02
    b1 = jnp.zeros((1800,), dtype=jnp.float32)
    W2 = jax.random.normal(ks[4], (1250, 1800), dtype=jnp.float32) * 0.02
    b2 = jnp.zeros((1250,), dtype=jnp.float32)
    W3 = jax.random.normal(ks[5], (900, 1250), dtype=jnp.float32) * 0.02
    b3 = jnp.zeros((900,), dtype=jnp.float32)
    W4 = jax.random.normal(ks[6], (768, 900), dtype=jnp.float32) * 0.02
    b4 = jnp.zeros((768,), dtype=jnp.float32)
    vocab_table = jax.random.normal(ks[7], (VOCAB_N, D), dtype=jnp.float32)
    return {
        'pos_embs': pos_embs, 'neg_embs': neg_embs, 'neut_embs': neut_embs,
        'W1': W1, 'b1': b1, 'W2': W2, 'b2': b2, 'W3': W3, 'b3': b3,
        'W4': W4, 'b4': b4, 'vocab_table': vocab_table,
    }


def reference(pos_embs, neg_embs, neut_embs, W1, b1, W2, b2, W3, b3, W4, b4, vocab_table):
    neg_emb = _process(neg_embs)
    neut_emb = _process(neut_embs)
    pos_emb = _process(pos_embs)
    concatenated = jnp.concatenate([neg_emb, neut_emb, pos_emb], axis=1)
    h = jax.nn.relu(concatenated @ W1.T + b1)
    h = jax.nn.relu(h @ W2.T + b2)
    h = jax.nn.relu(h @ W3.T + b3)
    model_out = _normalize(h @ W4.T + b4, axis=1)
    # vocab.search: cosine kNN over the vocab table, top VOCAB_SIZE results
    vocab_norm = _normalize(vocab_table, axis=1)
    sims = model_out @ vocab_norm.T
    dist, idx = jax.lax.top_k(sims, VOCAB_SIZE)
    # torch.tensor(word_embeddings) detaches -> stop_gradient
    word_embeddings = jax.lax.stop_gradient(jnp.take(vocab_table, idx, axis=0))  # [B, 80, 768]
    # find_search_embeddings
    we = word_embeddings[:, :, None, :]
    pos_scores = _cos(we, pos_embs[:, None, :, :], 3)
    neg_scores = _cos(we, neg_embs[:, None, :, :], 3)
    neut_scores = _cos(we, neut_embs[:, None, :, :], 3)
    # primary reward
    combined = jnp.concatenate([pos_scores, neg_scores, neut_scores], axis=2)
    order = jnp.argsort(-combined, axis=2)
    rew = jnp.concatenate([
        jnp.zeros((pos_scores.shape[2],), jnp.float32),
        jnp.ones((neg_scores.shape[2],), jnp.float32),
        jnp.ones((neut_scores.shape[2],), jnp.float32)])
    rewards = jnp.take_along_axis(jnp.broadcast_to(rew, combined.shape), order, axis=2)
    nz = jnp.where(rewards != 0, 1.0, 0.0)
    num_correct = jnp.argmax(nz, axis=2).astype(jnp.float32)
    # secondary reward
    comb2 = jnp.concatenate([neg_scores, neut_scores], axis=2)
    order2 = jnp.argsort(-comb2, axis=2)
    rew2 = jnp.concatenate([
        jnp.ones((neg_scores.shape[2],), jnp.float32) * NEG_WEIGHT,
        jnp.ones((neut_scores.shape[2],), jnp.float32) * NEUT_WEIGHT])
    rewards2 = jnp.take_along_axis(jnp.broadcast_to(rew2, comb2.shape), order2, axis=2)
    secondary = rewards2[:, :, 0]
    tot_reward = num_correct + secondary
    k = VOCAB_SIZE // 2
    _, idx_max = jax.lax.top_k(tot_reward, k)
    _, idx_min = jax.lax.top_k(-tot_reward, k)
    emb_max = jnp.take_along_axis(word_embeddings, idx_max[:, :, None], axis=1)
    emb_min = jnp.take_along_axis(word_embeddings, idx_min[:, :, None], axis=1)
    emb_max_pooled = _normalize(jnp.mean(emb_max, axis=1), axis=1)
    emb_min_pooled = _normalize(jnp.mean(emb_min, axis=1), axis=1)
    search_out = emb_max[:, 0]
    # training-mode output
    return (model_out, search_out, emb_max_pooled, emb_min_pooled)

if __name__ == "__main__":
    import jax
    _d = setup_inputs()
    print(jax.jit(kernel)(*tuple(_d.values())))

</pallas_src>

<mosaic_0001>
#map = affine_map<(d0, d1) -> (0, 0)>
#map1 = affine_map<(d0, d1) -> (0)>
module attributes {stable_mosaic.version = 14 : i64} {
  func.func @gather(%arg0: i32, %arg1: i32, %arg2: memref<100352x128xf32, #tpu.memory_space<hbm>>, %arg3: memref<10240xi32, #tpu.memory_space<hbm>>, %arg4: memref<10240x128xf32, #tpu.memory_space<hbm>>, %arg5: memref<320xi32, #tpu.memory_space<vmem>>, %arg6: memref<320x128xf32, #tpu.memory_space<vmem>>, %arg7: memref<!tpu.dma_semaphore, #tpu.memory_space<semaphore_mem>>) attributes {dimension_semantics = [#tpu.dimension_semantics<core_parallel>, #tpu.dimension_semantics<subcore_parallel>], iteration_bounds = array<i64: 2, 16>, scalar_prefetch = 0 : i64, scratch_operands = 3 : i64, tpu.core_type = #tpu.core_type<sc_vector_subcore>, window_params = [{transform_indices = #map}, {transform_indices = #map1}, {transform_indices = #map}]} {
    %mul3A = arith.constant 2 : i32
    %mul3A_0 = arith.muli %arg1, %mul3A : i32
    %add3A = arith.addi %mul3A_0, %arg0 : i32
    %mul3A_1 = arith.constant 320 : i32
    %mul3A_2 = arith.muli %add3A, %mul3A_1 : i32
    %add3A_3 = arith.constant 0 : i32
    %add3A_4 = arith.addi %mul3A_2, %add3A_3 : i32
    "tpu.region"() ({
      %run_scoped3A = tpu.sem_alloc : memref<!tpu.dma_semaphore, #tpu.memory_space<semaphore_mem>>
      %dma_start3A_9 = tpu.memref_slice %arg3[%add3A_4] : memref<10240xi32, #tpu.memory_space<hbm>> -> memref<320xi32, #tpu.memory_space<hbm>>
      %dma_start3A_10 = tpu.memref_slice %arg3[%add3A_4] : memref<10240xi32, #tpu.memory_space<hbm>> -> memref<320xi32, #tpu.memory_space<hbm>>
      tpu.enqueue_dma source(%dma_start3A_10 : memref<320xi32, #tpu.memory_space<hbm>>) target(%arg5 : memref<320xi32, #tpu.memory_space<vmem>>) target_semaphore(%run_scoped3A : memref<!tpu.dma_semaphore, #tpu.memory_space<semaphore_mem>>)
      %dma_wait3A_11 = tpu.memref_slice %arg3[%add3A_4] : memref<10240xi32, #tpu.memory_space<hbm>> -> memref<320xi32, #tpu.memory_space<hbm>>
      %dma_wait3A_12 = tpu.memref_slice %arg3[%add3A_4] : memref<10240xi32, #tpu.memory_space<hbm>> -> memref<320xi32, #tpu.memory_space<hbm>>
      tpu.wait_dma2 semaphore(%run_scoped3A : memref<!tpu.dma_semaphore, #tpu.memory_space<semaphore_mem>>) src(%dma_wait3A_12 : memref<320xi32, #tpu.memory_space<hbm>>) dst(%arg5 : memref<320xi32, #tpu.memory_space<vmem>>)
      tpu.yield
    }) : () -> ()
    %dma_start3A = arith.constant 0 : i32
    %dma_start3A_5 = arith.constant 0 : i32
    %dma_start3A_6 = tpu.memref_slice %arg2[%dma_start3A, %dma_start3A_5] : memref<100352x128xf32, #tpu.memory_space<hbm>> -> memref<100352x128xf32, #tpu.memory_space<hbm>>
    tpu.enqueue_indirect_dma source(%dma_start3A_6 : memref<100352x128xf32, #tpu.memory_space<hbm>>) target(%arg6 : memref<320x128xf32, #tpu.memory_space<vmem>>) offsets(%arg5 : memref<320xi32, #tpu.memory_space<vmem>>) semaphore(%arg7 : memref<!tpu.dma_semaphore, #tpu.memory_space<semaphore_mem>>)
    %dma_wait3A = arith.constant 0 : i32
    %dma_wait3A_7 = arith.constant 0 : i32
    %dma_wait3A_8 = tpu.memref_slice %arg2[%dma_wait3A, %dma_wait3A_7] : memref<100352x128xf32, #tpu.memory_space<hbm>> -> memref<100352x128xf32, #tpu.memory_space<hbm>>
    tpu.wait_indirect_dma semaphore(%arg7 : memref<!tpu.dma_semaphore, #tpu.memory_space<semaphore_mem>>) src(%dma_wait3A_8 : memref<100352x128xf32, #tpu.memory_space<hbm>>) dst(%arg6 : memref<320x128xf32, #tpu.memory_space<vmem>>)
    "tpu.region"() ({
      %run_scoped3A = tpu.sem_alloc : memref<!tpu.dma_semaphore, #tpu.memory_space<semaphore_mem>>
      %dma_start3A_9 = arith.constant 0 : i32
      %dma_start3A_10 = tpu.memref_slice %arg4[%add3A_4, %dma_start3A_9] : memref<10240x128xf32, #tpu.memory_space<hbm>> -> memref<320x128xf32, #tpu.memory_space<hbm>>
      %dma_start3A_11 = arith.constant 0 : i32
      %dma_start3A_12 = tpu.memref_slice %arg4[%add3A_4, %dma_start3A_11] : memref<10240x128xf32, #tpu.memory_space<hbm>> -> memref<320x128xf32, #tpu.memory_space<hbm>>
      tpu.enqueue_dma source(%arg6 : memref<320x128xf32, #tpu.memory_space<vmem>>) target(%dma_start3A_12 : memref<320x128xf32, #tpu.memory_space<hbm>>) target_semaphore(%run_scoped3A : memref<!tpu.dma_semaphore, #tpu.memory_space<semaphore_mem>>)
      %dma_wait3A_13 = arith.constant 0 : i32
      %dma_wait3A_14 = tpu.memref_slice %arg4[%add3A_4, %dma_wait3A_13] : memref<10240x128xf32, #tpu.memory_space<hbm>> -> memref<320x128xf32, #tpu.memory_space<hbm>>
      %dma_wait3A_15 = arith.constant 0 : i32
      %dma_wait3A_16 = tpu.memref_slice %arg4[%add3A_4, %dma_wait3A_15] : memref<10240x128xf32, #tpu.memory_space<hbm>> -> memref<320x128xf32, #tpu.memory_space<hbm>>
      tpu.wait_dma2 semaphore(%run_scoped3A : memref<!tpu.dma_semaphore, #tpu.memory_space<semaphore_mem>>) src(%arg6 : memref<320x128xf32, #tpu.memory_space<vmem>>) dst(%dma_wait3A_16 : memref<320x128xf32, #tpu.memory_space<hbm>>)
      tpu.yield
    }) : () -> ()
    return
  }
}

#map = affine_map<(d0, d1) -> (0, 0)>
#map1 = affine_map<(d0, d1) -> (0)>
module attributes {stable_mosaic.version = 14 : i64} {
  func.func @gather(%arg0: i32, %arg1: i32, %arg2: memref<100000x768xf32, #tpu.memory_space<hbm>>, %arg3: memref<10240xi32, #tpu.memory_space<hbm>>, %arg4: memref<10240x768xf32, #tpu.memory_space<hbm>>, %arg5: memref<80xi32, #tpu.memory_space<vmem>>, %arg6: memref<80x768xf32, #tpu.memory_space<vmem>>, %arg7: memref<!tpu.dma_semaphore, #tpu.memory_space<semaphore_mem>>) attributes {dimension_semantics = [#tpu.dimension_semantics<core_parallel>, #tpu.dimension_semantics<subcore_parallel>], iteration_bounds = array<i64: 2, 16>, scalar_prefetch = 0 : i64, scratch_operands = 3 : i64, tpu.core_type = #tpu.core_type<sc_vector_subcore>, window_params = [{transform_indices = #map}, {transform_indices = #map1}, {transform_indices = #map}]} {
    %mul3A = arith.constant 2 : i32
    %mul3A_0 = arith.muli %arg1, %mul3A : i32
    %add3A = arith.addi %mul3A_0, %arg0 : i32
    %mul3A_1 = arith.constant 320 : i32
    %mul3A_2 = arith.muli %add3A, %mul3A_1 : i32
    %add3A_3 = arith.constant 0 : i32
    %add3A_4 = arith.addi %mul3A_2, %add3A_3 : i32
    "tpu.region"() ({
      %run_scoped3A = tpu.sem_alloc : memref<!tpu.dma_semaphore, #tpu.memory_space<semaphore_mem>>
      %dma_start3A_39 = tpu.memref_slice %arg3[%add3A_4] : memref<10240xi32, #tpu.memory_space<hbm>> -> memref<80xi32, #tpu.memory_space<hbm>>
      %dma_start3A_40 = tpu.memref_slice %arg3[%add3A_4] : memref<10240xi32, #tpu.memory_space<hbm>> -> memref<80xi32, #tpu.memory_space<hbm>>
      tpu.enqueue_dma source(%dma_start3A_40 : memref<80xi32, #tpu.memory_space<hbm>>) target(%arg5 : memref<80xi32, #tpu.memory_space<vmem>>) target_semaphore(%run_scoped3A : memref<!tpu.dma_semaphore, #tpu.memory_space<semaphore_mem>>)
      %dma_wait3A_41 = tpu.memref_slice %arg3[%add3A_4] : memref<10240xi32, #tpu.memory_space<hbm>> -> memref<80xi32, #tpu.memory_space<hbm>>
      %dma_wait3A_42 = tpu.memref_slice %arg3[%add3A_4] : memref<10240xi32, #tpu.memory_space<hbm>> -> memref<80xi32, #tpu.memory_space<hbm>>
      tpu.wait_dma2 semaphore(%run_scoped3A : memref<!tpu.dma_semaphore, #tpu.memory_space<semaphore_mem>>) src(%dma_wait3A_42 : memref<80xi32, #tpu.memory_space<hbm>>) dst(%arg5 : memref<80xi32, #tpu.memory_space<vmem>>)
      tpu.yield
    }) : () -> ()
    %dma_start3A = arith.constant 0 : i32
    %dma_start3A_5 = arith.constant 0 : i32
    %dma_start3A_6 = tpu.memref_slice %arg2[%dma_start3A, %dma_start3A_5] : memref<100000x768xf32, #tpu.memory_space<hbm>> -> memref<100000x768xf32, #tpu.memory_space<hbm>>
    tpu.enqueue_indirect_dma source(%dma_start3A_6 : memref<100000x768xf32, #tpu.memory_space<hbm>>) target(%arg6 : memref<80x768xf32, #tpu.memory_space<vmem>>) offsets(%arg5 : memref<80xi32, #tpu.memory_space<vmem>>) semaphore(%arg7 : memref<!tpu.dma_semaphore, #tpu.memory_space<semaphore_mem>>)
    %dma_wait3A = arith.constant 0 : i32
    %dma_wait3A_7 = arith.constant 0 : i32
    %dma_wait3A_8 = tpu.memref_slice %arg2[%dma_wait3A, %dma_wait3A_7] : memref<100000x768xf32, #tpu.memory_space<hbm>> -> memref<100000x768xf32, #tpu.memory_space<hbm>>
    tpu.wait_indirect_dma semaphore(%arg7 : memref<!tpu.dma_semaphore, #tpu.memory_space<semaphore_mem>>) src(%dma_wait3A_8 : memref<100000x768xf32, #tpu.memory_space<hbm>>) dst(%arg6 : memref<80x768xf32, #tpu.memory_space<vmem>>)
    "tpu.region"() ({
      %run_scoped3A = tpu.sem_alloc : memref<!tpu.dma_semaphore, #tpu.memory_space<semaphore_mem>>
      %dma_start3A_39 = arith.constant 0 : i32
      %dma_start3A_40 = tpu.memref_slice %arg4[%add3A_4, %dma_start3A_39] : memref<10240x768xf32, #tpu.memory_space<hbm>> -> memref<80x768xf32, #tpu.memory_space<hbm>>
      %dma_start3A_41 = arith.constant 0 : i32
      %dma_start3A_42 = tpu.memref_slice %arg4[%add3A_4, %dma_start3A_41] : memref<10240x768xf32, #tpu.memory_space<hbm>> -> memref<80x768xf32, #tpu.memory_space<hbm>>
      tpu.enqueue_dma source(%arg6 : memref<80x768xf32, #tpu.memory_space<vmem>>) target(%dma_start3A_42 : memref<80x768xf32, #tpu.memory_space<hbm>>) target_semaphore(%run_scoped3A : memref<!tpu.dma_semaphore, #tpu.memory_space<semaphore_mem>>)
      %dma_wait3A_43 = arith.constant 0 : i32
      %dma_wait3A_44 = tpu.memref_slice %arg4[%add3A_4, %dma_wait3A_43] : memref<10240x768xf32, #tpu.memory_space<hbm>> -> memref<80x768xf32, #tpu.memory_space<hbm>>
      %dma_wait3A_45 = arith.constant 0 : i32
      %dma_wait3A_46 = tpu.memref_slice %arg4[%add3A_4, %dma_wait3A_45] : memref<10240x768xf32, #tpu.memory_space<hbm>> -> memref<80x768xf32, #tpu.memory_space<hbm>>
      tpu.wait_dma2 semaphore(%run_scoped3A : memref<!tpu.dma_semaphore, #tpu.memory_space<semaphore_mem>>) src(%arg6 : memref<80x768xf32, #tpu.memory_space<vmem>>) dst(%dma_wait3A_46 : memref<80x768xf32, #tpu.memory_space<hbm>>)
      tpu.yield
    }) : () -> ()
    %mul3A_9 = arith.constant 320 : i32
    %mul3A_10 = arith.muli %add3A, %mul3A_9 : i32
    %add3A_11 = arith.constant 80 : i32
    %add3A_12 = arith.addi %mul3A_10, %add3A_11 : i32
    "tpu.region"() ({
      %run_scoped3A = tpu.sem_alloc : memref<!tpu.dma_semaphore, #tpu.memory_space<semaphore_mem>>
      %dma_start3A_39 = tpu.memref_slice %arg3[%add3A_12] : memref<10240xi32, #tpu.memory_space<hbm>> -> memref<80xi32, #tpu.memory_space<hbm>>
      %dma_start3A_40 = tpu.memref_slice %arg3[%add3A_12] : memref<10240xi32, #tpu.memory_space<hbm>> -> memref<80xi32, #tpu.memory_space<hbm>>
      tpu.enqueue_dma source(%dma_start3A_40 : memref<80xi32, #tpu.memory_space<hbm>>) target(%arg5 : memref<80xi32, #tpu.memory_space<vmem>>) target_semaphore(%run_scoped3A : memref<!tpu.dma_semaphore, #tpu.memory_space<semaphore_mem>>)
      %dma_wait3A_41 = tpu.memref_slice %arg3[%add3A_12] : memref<10240xi32, #tpu.memory_space<hbm>> -> memref<80xi32, #tpu.memory_space<hbm>>
      %dma_wait3A_42 = tpu.memref_slice %arg3[%add3A_12] : memref<10240xi32, #tpu.memory_space<hbm>> -> memref<80xi32, #tpu.memory_space<hbm>>
      tpu.wait_dma2 semaphore(%run_scoped3A : memref<!tpu.dma_semaphore, #tpu.memory_space<semaphore_mem>>) src(%dma_wait3A_42 : memref<80xi32, #tpu.memory_space<hbm>>) dst(%arg5 : memref<80xi32, #tpu.memory_space<vmem>>)
      tpu.yield
    }) : () -> ()
    %dma_start3A_13 = arith.constant 0 : i32
    %dma_start3A_14 = arith.constant 0 : i32
    %dma_start3A_15 = tpu.memref_slice %arg2[%dma_start3A_13, %dma_start3A_14] : memref<100000x768xf32, #tpu.memory_space<hbm>> -> memref<100000x768xf32, #tpu.memory_space<hbm>>
    tpu.enqueue_indirect_dma source(%dma_start3A_15 : memref<100000x768xf32, #tpu.memory_space<hbm>>) target(%arg6 : memref<80x768xf32, #tpu.memory_space<vmem>>) offsets(%arg5 : memref<80xi32, #tpu.memory_space<vmem>>) semaphore(%arg7 : memref<!tpu.dma_semaphore, #tpu.memory_space<semaphore_mem>>)
    %dma_wait3A_16 = arith.constant 0 : i32
    %dma_wait3A_17 = arith.constant 0 : i32
    %dma_wait3A_18 = tpu.memref_slice %arg2[%dma_wait3A_16, %dma_wait3A_17] : memref<100000x768xf32, #tpu.memory_space<hbm>> -> memref<100000x768xf32, #tpu.memory_space<hbm>>
    tpu.wait_indirect_dma semaphore(%arg7 : memref<!tpu.dma_semaphore, #tpu.memory_space<semaphore_mem>>) src(%dma_wait3A_18 : memref<100000x768xf32, #tpu.memory_space<hbm>>) dst(%arg6 : memref<80x768xf32, #tpu.memory_space<vmem>>)
    "tpu.region"() ({
      %run_scoped3A = tpu.sem_alloc : memref<!tpu.dma_semaphore, #tpu.memory_space<semaphore_mem>>
      %dma_start3A_39 = arith.constant 0 : i32
      %dma_start3A_40 = tpu.memref_slice %arg4[%add3A_12, %dma_start3A_39] : memref<10240x768xf32, #tpu.memory_space<hbm>> -> memref<80x768xf32, #tpu.memory_space<hbm>>
      %dma_start3A_41 = arith.constant 0 : i32
      %dma_start3A_42 = tpu.memref_slice %arg4[%add3A_12, %dma_start3A_41] : memref<10240x768xf32, #tpu.memory_space<hbm>> -> memref<80x768xf32, #tpu.memory_space<hbm>>
      tpu.enqueue_dma source(%arg6 : memref<80x768xf32, #tpu.memory_space<vmem>>) target(%dma_start3A_42 : memref<80x768xf32, #tpu.memory_space<hbm>>) target_semaphore(%run_scoped3A : memref<!tpu.dma_semaphore, #tpu.memory_space<semaphore_mem>>)
      %dma_wait3A_43 = arith.constant 0 : i32
      %dma_wait3A_44 = tpu.memref_slice %arg4[%add3A_12, %dma_wait3A_43] : memref<10240x768xf32, #tpu.memory_space<hbm>> -> memref<80x768xf32, #tpu.memory_space<hbm>>
      %dma_wait3A_45 = arith.constant 0 : i32
      %dma_wait3A_46 = tpu.memref_slice %arg4[%add3A_12, %dma_wait3A_45] : memref<10240x768xf32, #tpu.memory_space<hbm>> -> memref<80x768xf32, #tpu.memory_space<hbm>>
      tpu.wait_dma2 semaphore(%run_scoped3A : memref<!tpu.dma_semaphore, #tpu.memory_space<semaphore_mem>>) src(%arg6 : memref<80x768xf32, #tpu.memory_space<vmem>>) dst(%dma_wait3A_46 : memref<80x768xf32, #tpu.memory_space<hbm>>)
      tpu.yield
    }) : () -> ()
    %mul3A_19 = arith.constant 320 : i32
    %mul3A_20 = arith.muli %add3A, %mul3A_19 : i32
    %add3A_21 = arith.constant 160 : i32
    %add3A_22 = arith.addi %mul3A_20, %add3A_21 : i32
    "tpu.region"() ({
      %run_scoped3A = tpu.sem_alloc : memref<!tpu.dma_semaphore, #tpu.memory_space<semaphore_mem>>
      %dma_start3A_39 = tpu.memref_slice %arg3[%add3A_22] : memref<10240xi32, #tpu.memory_space<hbm>> -> memref<80xi32, #tpu.memory_space<hbm>>
      %dma_start3A_40 = tpu.memref_slice %arg3[%add3A_22] : memref<10240xi32, #tpu.memory_space<hbm>> -> memref<80xi32, #tpu.memory_space<hbm>>
      tpu.enqueue_dma source(%dma_start3A_40 : memref<80xi32, #tpu.memory_space<hbm>>) target(%arg5 : memref<80xi32, #tpu.memory_space<vmem>>) target_semaphore(%run_scoped3A : memref<!tpu.dma_semaphore, #tpu.memory_space<semaphore_mem>>)
      %dma_wait3A_41 = tpu.memref_slice %arg3[%add3A_22] : memref<10240xi32, #tpu.memory_space<hbm>> -> memref<80xi32, #tpu.memory_space<hbm>>
      %dma_wait3A_42 = tpu.memref_slice %arg3[%add3A_22] : memref<10240xi32, #tpu.memory_space<hbm>> -> memref<80xi32, #tpu.memory_space<hbm>>
      tpu.wait_dma2 semaphore(%run_scoped3A : memref<!tpu.dma_semaphore, #tpu.memory_space<semaphore_mem>>) src(%dma_wait3A_42 : memref<80xi32, #tpu.memory_space<hbm>>) dst(%arg5 : memref<80xi32, #tpu.memory_space<vmem>>)
      tpu.yield
    }) : () -> ()
    %dma_start3A_23 = arith.constant 0 : i32
    %dma_start3A_24 = arith.constant 0 : i32
    %dma_start3A_25 = tpu.memref_slice %arg2[%dma_start3A_23, %dma_start3A_24] : memref<100000x768xf32, #tpu.memory_space<hbm>> -> memref<100000x768xf32, #tpu.memory_space<hbm>>
    tpu.enqueue_indirect_dma source(%dma_start3A_25 : memref<100000x768xf32, #tpu.memory_space<hbm>>) target(%arg6 : memref<80x768xf32, #tpu.memory_space<vmem>>) offsets(%arg5 : memref<80xi32, #tpu.memory_space<vmem>>) semaphore(%arg7 : memref<!tpu.dma_semaphore, #tpu.memory_space<semaphore_mem>>)
    %dma_wait3A_26 = arith.constant 0 : i32
    %dma_wait3A_27 = arith.constant 0 : i32
    %dma_wait3A_28 = tpu.memref_slice %arg2[%dma_wait3A_26, %dma_wait3A_27] : memref<100000x768xf32, #tpu.memory_space<hbm>> -> memref<100000x768xf32, #tpu.memory_space<hbm>>
    tpu.wait_indirect_dma semaphore(%arg7 : memref<!tpu.dma_semaphore, #tpu.memory_space<semaphore_mem>>) src(%dma_wait3A_28 : memref<100000x768xf32, #tpu.memory_space<hbm>>) dst(%arg6 : memref<80x768xf32, #tpu.memory_space<vmem>>)
    "tpu.region"() ({
      %run_scoped3A = tpu.sem_alloc : memref<!tpu.dma_semaphore, #tpu.memory_space<semaphore_mem>>
      %dma_start3A_39 = arith.constant 0 : i32
      %dma_start3A_40 = tpu.memref_slice %arg4[%add3A_22, %dma_start3A_39] : memref<10240x768xf32, #tpu.memory_space<hbm>> -> memref<80x768xf32, #tpu.memory_space<hbm>>
      %dma_start3A_41 = arith.constant 0 : i32
      %dma_start3A_42 = tpu.memref_slice %arg4[%add3A_22, %dma_start3A_41] : memref<10240x768xf32, #tpu.memory_space<hbm>> -> memref<80x768xf32, #tpu.memory_space<hbm>>
      tpu.enqueue_dma source(%arg6 : memref<80x768xf32, #tpu.memory_space<vmem>>) target(%dma_start3A_42 : memref<80x768xf32, #tpu.memory_space<hbm>>) target_semaphore(%run_scoped3A : memref<!tpu.dma_semaphore, #tpu.memory_space<semaphore_mem>>)
      %dma_wait3A_43 = arith.constant 0 : i32
      %dma_wait3A_44 = tpu.memref_slice %arg4[%add3A_22, %dma_wait3A_43] : memref<10240x768xf32, #tpu.memory_space<hbm>> -> memref<80x768xf32, #tpu.memory_space<hbm>>
      %dma_wait3A_45 = arith.constant 0 : i32
      %dma_wait3A_46 = tpu.memref_slice %arg4[%add3A_22, %dma_wait3A_45] : memref<10240x768xf32, #tpu.memory_space<hbm>> -> memref<80x768xf32, #tpu.memory_space<hbm>>
      tpu.wait_dma2 semaphore(%run_scoped3A : memref<!tpu.dma_semaphore, #tpu.memory_space<semaphore_mem>>) src(%arg6 : memref<80x768xf32, #tpu.memory_space<vmem>>) dst(%dma_wait3A_46 : memref<80x768xf32, #tpu.memory_space<hbm>>)
      tpu.yield
    }) : () -> ()
    %mul3A_29 = arith.constant 320 : i32
    %mul3A_30 = arith.muli %add3A, %mul3A_29 : i32
    %add3A_31 = arith.constant 240 : i32
    %add3A_32 = arith.addi %mul3A_30, %add3A_31 : i32
    "tpu.region"() ({
      %run_scoped3A = tpu.sem_alloc : memref<!tpu.dma_semaphore, #tpu.memory_space<semaphore_mem>>
      %dma_start3A_39 = tpu.memref_slice %arg3[%add3A_32] : memref<10240xi32, #tpu.memory_space<hbm>> -> memref<80xi32, #tpu.memory_space<hbm>>
      %dma_start3A_40 = tpu.memref_slice %arg3[%add3A_32] : memref<10240xi32, #tpu.memory_space<hbm>> -> memref<80xi32, #tpu.memory_space<hbm>>
      tpu.enqueue_dma source(%dma_start3A_40 : memref<80xi32, #tpu.memory_space<hbm>>) target(%arg5 : memref<80xi32, #tpu.memory_space<vmem>>) target_semaphore(%run_scoped3A : memref<!tpu.dma_semaphore, #tpu.memory_space<semaphore_mem>>)
      %dma_wait3A_41 = tpu.memref_slice %arg3[%add3A_32] : memref<10240xi32, #tpu.memory_space<hbm>> -> memref<80xi32, #tpu.memory_space<hbm>>
      %dma_wait3A_42 = tpu.memref_slice %arg3[%add3A_32] : memref<10240xi32, #tpu.memory_space<hbm>> -> memref<80xi32, #tpu.memory_space<hbm>>
      tpu.wait_dma2 semaphore(%run_scoped3A : memref<!tpu.dma_semaphore, #tpu.memory_space<semaphore_mem>>) src(%dma_wait3A_42 : memref<80xi32, #tpu.memory_space<hbm>>) dst(%arg5 : memref<80xi32, #tpu.memory_space<vmem>>)
      tpu.yield
    }) : () -> ()
    %dma_start3A_33 = arith.constant 0 : i32
    %dma_start3A_34 = arith.constant 0 : i32
    %dma_start3A_35 = tpu.memref_slice %arg2[%dma_start3A_33, %dma_start3A_34] : memref<100000x768xf32, #tpu.memory_space<hbm>> -> memref<100000x768xf32, #tpu.memory_space<hbm>>
    tpu.enqueue_indirect_dma source(%dma_start3A_35 : memref<100000x768xf32, #tpu.memory_space<hbm>>) target(%arg6 : memref<80x768xf32, #tpu.memory_space<vmem>>) offsets(%arg5 : memref<80xi32, #tpu.memory_space<vmem>>) semaphore(%arg7 : memref<!tpu.dma_semaphore, #tpu.memory_space<semaphore_mem>>)
    %dma_wait3A_36 = arith.constant 0 : i32
    %dma_wait3A_37 = arith.constant 0 : i32
    %dma_wait3A_38 = tpu.memref_slice %arg2[%dma_wait3A_36, %dma_wait3A_37] : memref<100000x768xf32, #tpu.memory_space<hbm>> -> memref<100000x768xf32, #tpu.memory_space<hbm>>
    tpu.wait_indirect_dma semaphore(%arg7 : memref<!tpu.dma_semaphore, #tpu.memory_space<semaphore_mem>>) src(%dma_wait3A_38 : memref<100000x768xf32, #tpu.memory_space<hbm>>) dst(%arg6 : memref<80x768xf32, #tpu.memory_space<vmem>>)
    "tpu.region"() ({
      %run_scoped3A = tpu.sem_alloc : memref<!tpu.dma_semaphore, #tpu.memory_space<semaphore_mem>>
      %dma_start3A_39 = arith.constant 0 : i32
      %dma_start3A_40 = tpu.memref_slice %arg4[%add3A_32, %dma_start3A_39] : memref<10240x768xf32, #tpu.memory_space<hbm>> -> memref<80x768xf32, #tpu.memory_space<hbm>>
      %dma_start3A_41 = arith.constant 0 : i32
      %dma_start3A_42 = tpu.memref_slice %arg4[%add3A_32, %dma_start3A_41] : memref<10240x768xf32, #tpu.memory_space<hbm>> -> memref<80x768xf32, #tpu.memory_space<hbm>>
      tpu.enqueue_dma source(%arg6 : memref<80x768xf32, #tpu.memory_space<vmem>>) target(%dma_start3A_42 : memref<80x768xf32, #tpu.memory_space<hbm>>) target_semaphore(%run_scoped3A : memref<!tpu.dma_semaphore, #tpu.memory_space<semaphore_mem>>)
      %dma_wait3A_43 = arith.constant 0 : i32
      %dma_wait3A_44 = tpu.memref_slice %arg4[%add3A_32, %dma_wait3A_43] : memref<10240x768xf32, #tpu.memory_space<hbm>> -> memref<80x768xf32, #tpu.memory_space<hbm>>
      %dma_wait3A_45 = arith.constant 0 : i32
      %dma_wait3A_46 = tpu.memref_slice %arg4[%add3A_32, %dma_wait3A_45] : memref<10240x768xf32, #tpu.memory_space<hbm>> -> memref<80x768xf32, #tpu.memory_space<hbm>>
      tpu.wait_dma2 semaphore(%run_scoped3A : memref<!tpu.dma_semaphore, #tpu.memory_space<semaphore_mem>>) src(%arg6 : memref<80x768xf32, #tpu.memory_space<vmem>>) dst(%dma_wait3A_46 : memref<80x768xf32, #tpu.memory_space<hbm>>)
      tpu.yield
    }) : () -> ()
    return
  }
}

module attributes {stable_mosaic.version = 14 : i64} {
  func.func @_mlp_body(%arg0: memref<128x9x768xf32, #tpu.memory_space<vmem>>, %arg1: memref<128x8x768xf32, #tpu.memory_space<vmem>>, %arg2: memref<128x7x768xf32, #tpu.memory_space<vmem>>, %arg3: memref<1800x2304xf32, #tpu.memory_space<vmem>>, %arg4: memref<1x1800xf32, #tpu.memory_space<vmem>>, %arg5: memref<1250x1800xf32, #tpu.memory_space<vmem>>, %arg6: memref<1x1250xf32, #tpu.memory_space<vmem>>, %arg7: memref<900x1250xf32, #tpu.memory_space<vmem>>, %arg8: memref<1x900xf32, #tpu.memory_space<vmem>>, %arg9: memref<768x900xf32, #tpu.memory_space<vmem>>, %arg10: memref<1x768xf32, #tpu.memory_space<vmem>>, %arg11: memref<128x768xf32, #tpu.memory_space<vmem>>) attributes {dimension_semantics = [], scalar_prefetch = 0 : i64, scratch_operands = 0 : i64, tpu.core_type = #tpu.core_type<tc>} {
    %get3A = arith.constant 0 : index
    %get3A_0 = arith.constant 0 : index
    %get3A_1 = arith.constant 0 : index
    %get3A_2 = vector.load %arg1[%get3A, %get3A_0, %get3A_1] : memref<128x8x768xf32, #tpu.memory_space<vmem>>, vector<128x1x768xf32>
    %get3A_3 = vector.shape_cast %get3A_2 : vector<128x1x768xf32> to vector<128x768xf32>
    %get3A_4 = arith.constant 0 : index
    %get3A_5 = arith.constant 1 : index
    %get3A_6 = arith.constant 0 : index
    %get3A_7 = vector.load %arg1[%get3A_4, %get3A_5, %get3A_6] : memref<128x8x768xf32, #tpu.memory_space<vmem>>, vector<128x1x768xf32>
    %get3A_8 = vector.shape_cast %get3A_7 : vector<128x1x768xf32> to vector<128x768xf32>
    %add3A = arith.addf %get3A_3, %get3A_8 : vector<128x768xf32>
    %get3A_9 = arith.constant 0 : index
    %get3A_10 = arith.constant 2 : index
    %get3A_11 = arith.constant 0 : index
    %get3A_12 = vector.load %arg1[%get3A_9, %get3A_10, %get3A_11] : memref<128x8x768xf32, #tpu.memory_space<vmem>>, vector<128x1x768xf32>
    %get3A_13 = vector.shape_cast %get3A_12 : vector<128x1x768xf32> to vector<128x768xf32>
    %add3A_14 = arith.addf %add3A, %get3A_13 : vector<128x768xf32>
    %get3A_15 = arith.constant 0 : index
    %get3A_16 = arith.constant 3 : index
    %get3A_17 = arith.constant 0 : index
    %get3A_18 = vector.load %arg1[%get3A_15, %get3A_16, %get3A_17] : memref<128x8x768xf32, #tpu.memory_space<vmem>>, vector<128x1x768xf32>
    %get3A_19 = vector.shape_cast %get3A_18 : vector<128x1x768xf32> to vector<128x768xf32>
    %add3A_20 = arith.addf %add3A_14, %get3A_19 : vector<128x768xf32>
    %get3A_21 = arith.constant 0 : index
    %get3A_22 = arith.constant 4 : index
    %get3A_23 = arith.constant 0 : index
    %get3A_24 = vector.load %arg1[%get3A_21, %get3A_22, %get3A_23] : memref<128x8x768xf32, #tpu.memory_space<vmem>>, vector<128x1x768xf32>
    %get3A_25 = vector.shape_cast %get3A_24 : vector<128x1x768xf32> to vector<128x768xf32>
    %add3A_26 = arith.addf %add3A_20, %get3A_25 : vector<128x768xf32>
    %get3A_27 = arith.constant 0 : index
    %get3A_28 = arith.constant 5 : index
    %get3A_29 = arith.constant 0 : index
    %get3A_30 = vector.load %arg1[%get3A_27, %get3A_28, %get3A_29] : memref<128x8x768xf32, #tpu.memory_space<vmem>>, vector<128x1x768xf32>
    %get3A_31 = vector.shape_cast %get3A_30 : vector<128x1x768xf32> to vector<128x768xf32>
    %add3A_32 = arith.addf %add3A_26, %get3A_31 : vector<128x768xf32>
    %get3A_33 = arith.constant 0 : index
    %get3A_34 = arith.constant 6 : index
    %get3A_35 = arith.constant 0 : index
    %get3A_36 = vector.load %arg1[%get3A_33, %get3A_34, %get3A_35] : memref<128x8x768xf32, #tpu.memory_space<vmem>>, vector<128x1x768xf32>
    %get3A_37 = vector.shape_cast %get3A_36 : vector<128x1x768xf32> to vector<128x768xf32>
    %add3A_38 = arith.addf %add3A_32, %get3A_37 : vector<128x768xf32>
    %get3A_39 = arith.constant 0 : index
    %get3A_40 = arith.constant 7 : index
    %get3A_41 = arith.constant 0 : index
    %get3A_42 = vector.load %arg1[%get3A_39, %get3A_40, %get3A_41] : memref<128x8x768xf32, #tpu.memory_space<vmem>>, vector<128x1x768xf32>
    %get3A_43 = vector.shape_cast %get3A_42 : vector<128x1x768xf32> to vector<128x768xf32>
    %add3A_44 = arith.addf %add3A_38, %get3A_43 : vector<128x768xf32>
    %mul3A = arith.constant 1.250000e-01 : f32
    %mul3A_45 = vector.broadcast %mul3A : f32 to vector<128x768xf32>
    %mul3A_46 = arith.mulf %add3A_44, %mul3A_45 : vector<128x768xf32>
    %mul3A_47 = arith.mulf %mul3A_46, %mul3A_46 : vector<128x768xf32>
    %reduce_sum3A = arith.constant dense<0.000000e+00> : vector<128xf32>
    %reduce_sum3A_48 = vector.multi_reduction <add>, %mul3A_47, %reduce_sum3A [1] : vector<128x768xf32> to vector<128xf32>
    %broadcast_in_dim3A = vector.shape_cast %reduce_sum3A_48 : vector<128xf32> to vector<128x1xf32>
    %sqrt3A = math.sqrt %broadcast_in_dim3A : vector<128x1xf32>
    %max3A = arith.constant 9.99999996E-13 : f32
    %max3A_49 = vector.broadcast %max3A : f32 to vector<128x1xf32>
    %max3A_50 = arith.maximumf %sqrt3A, %max3A_49 : vector<128x1xf32>
    %div3A = vector.broadcast %max3A_50 : vector<128x1xf32> to vector<128x768xf32>
    %div3A_51 = arith.divf %mul3A_46, %div3A : vector<128x768xf32>
    %get3A_52 = arith.constant 0 : index
    %get3A_53 = arith.constant 0 : index
    %get3A_54 = arith.constant 0 : index
    %get3A_55 = vector.load %arg2[%get3A_52, %get3A_53, %get3A_54] : memref<128x7x768xf32, #tpu.memory_space<vmem>>, vector<128x1x768xf32>
    %get3A_56 = vector.shape_cast %get3A_55 : vector<128x1x768xf32> to vector<128x768xf32>
    %get3A_57 = arith.constant 0 : index
    %get3A_58 = arith.constant 1 : index
    %get3A_59 = arith.constant 0 : index
    %get3A_60 = vector.load %arg2[%get3A_57, %get3A_58, %get3A_59] : memref<128x7x768xf32, #tpu.memory_space<vmem>>, vector<128x1x768xf32>
    %get3A_61 = vector.shape_cast %get3A_60 : vector<128x1x768xf32> to vector<128x768xf32>
    %add3A_62 = arith.addf %get3A_56, %get3A_61 : vector<128x768xf32>
    %get3A_63 = arith.constant 0 : index
    %get3A_64 = arith.constant 2 : index
    %get3A_65 = arith.constant 0 : index
    %get3A_66 = vector.load %arg2[%get3A_63, %get3A_64, %get3A_65] : memref<128x7x768xf32, #tpu.memory_space<vmem>>, vector<128x1x768xf32>
    %get3A_67 = vector.shape_cast %get3A_66 : vector<128x1x768xf32> to vector<128x768xf32>
    %add3A_68 = arith.addf %add3A_62, %get3A_67 : vector<128x768xf32>
    %get3A_69 = arith.constant 0 : index
    %get3A_70 = arith.constant 3 : index
    %get3A_71 = arith.constant 0 : index
    %get3A_72 = vector.load %arg2[%get3A_69, %get3A_70, %get3A_71] : memref<128x7x768xf32, #tpu.memory_space<vmem>>, vector<128x1x768xf32>
    %get3A_73 = vector.shape_cast %get3A_72 : vector<128x1x768xf32> to vector<128x768xf32>
    %add3A_74 = arith.addf %add3A_68, %get3A_73 : vector<128x768xf32>
    %get3A_75 = arith.constant 0 : index
    %get3A_76 = arith.constant 4 : index
    %get3A_77 = arith.constant 0 : index
    %get3A_78 = vector.load %arg2[%get3A_75, %get3A_76, %get3A_77] : memref<128x7x768xf32, #tpu.memory_space<vmem>>, vector<128x1x768xf32>
    %get3A_79 = vector.shape_cast %get3A_78 : vector<128x1x768xf32> to vector<128x768xf32>
    %add3A_80 = arith.addf %add3A_74, %get3A_79 : vector<128x768xf32>
    %get3A_81 = arith.constant 0 : index
    %get3A_82 = arith.constant 5 : index
    %get3A_83 = arith.constant 0 : index
    %get3A_84 = vector.load %arg2[%get3A_81, %get3A_82, %get3A_83] : memref<128x7x768xf32, #tpu.memory_space<vmem>>, vector<128x1x768xf32>
    %get3A_85 = vector.shape_cast %get3A_84 : vector<128x1x768xf32> to vector<128x768xf32>
    %add3A_86 = arith.addf %add3A_80, %get3A_85 : vector<128x768xf32>
    %get3A_87 = arith.constant 0 : index
    %get3A_88 = arith.constant 6 : index
    %get3A_89 = arith.constant 0 : index
    %get3A_90 = vector.load %arg2[%get3A_87, %get3A_88, %get3A_89] : memref<128x7x768xf32, #tpu.memory_space<vmem>>, vector<128x1x768xf32>
    %get3A_91 = vector.shape_cast %get3A_90 : vector<128x1x768xf32> to vector<128x768xf32>
    %add3A_92 = arith.addf %add3A_86, %get3A_91 : vector<128x768xf32>
    %mul3A_93 = arith.constant 0.142857149 : f32
    %mul3A_94 = vector.broadcast %mul3A_93 : f32 to vector<128x768xf32>
    %mul3A_95 = arith.mulf %add3A_92, %mul3A_94 : vector<128x768xf32>
    %mul3A_96 = arith.mulf %mul3A_95, %mul3A_95 : vector<128x768xf32>
    %reduce_sum3A_97 = arith.constant dense<0.000000e+00> : vector<128xf32>
    %reduce_sum3A_98 = vector.multi_reduction <add>, %mul3A_96, %reduce_sum3A_97 [1] : vector<128x768xf32> to vector<128xf32>
    %broadcast_in_dim3A_99 = vector.shape_cast %reduce_sum3A_98 : vector<128xf32> to vector<128x1xf32>
    %sqrt3A_100 = math.sqrt %broadcast_in_dim3A_99 : vector<128x1xf32>
    %max3A_101 = arith.constant 9.99999996E-13 : f32
    %max3A_102 = vector.broadcast %max3A_101 : f32 to vector<128x1xf32>
    %max3A_103 = arith.maximumf %sqrt3A_100, %max3A_102 : vector<128x1xf32>
    %div3A_104 = vector.broadcast %max3A_103 : vector<128x1xf32> to vector<128x768xf32>
    %div3A_105 = arith.divf %mul3A_95, %div3A_104 : vector<128x768xf32>
    %get3A_106 = arith.constant 0 : index
    %get3A_107 = arith.constant 0 : index
    %get3A_108 = arith.constant 0 : index
    %get3A_109 = vector.load %arg0[%get3A_106, %get3A_107, %get3A_108] : memref<128x9x768xf32, #tpu.memory_space<vmem>>, vector<128x1x768xf32>
    %get3A_110 = vector.shape_cast %get3A_109 : vector<128x1x768xf32> to vector<128x768xf32>
    %get3A_111 = arith.constant 0 : index
    %get3A_112 = arith.constant 1 : index
    %get3A_113 = arith.constant 0 : index
    %get3A_114 = vector.load %arg0[%get3A_111, %get3A_112, %get3A_113] : memref<128x9x768xf32, #tpu.memory_space<vmem>>, vector<128x1x768xf32>
    %get3A_115 = vector.shape_cast %get3A_114 : vector<128x1x768xf32> to vector<128x768xf32>
    %add3A_116 = arith.addf %get3A_110, %get3A_115 : vector<128x768xf32>
    %get3A_117 = arith.constant 0 : index
    %get3A_118 = arith.constant 2 : index
    %get3A_119 = arith.constant 0 : index
    %get3A_120 = vector.load %arg0[%get3A_117, %get3A_118, %get3A_119] : memref<128x9x768xf32, #tpu.memory_space<vmem>>, vector<128x1x768xf32>
    %get3A_121 = vector.shape_cast %get3A_120 : vector<128x1x768xf32> to vector<128x768xf32>
    %add3A_122 = arith.addf %add3A_116, %get3A_121 : vector<128x768xf32>
    %get3A_123 = arith.constant 0 : index
    %get3A_124 = arith.constant 3 : index
    %get3A_125 = arith.constant 0 : index
    %get3A_126 = vector.load %arg0[%get3A_123, %get3A_124, %get3A_125] : memref<128x9x768xf32, #tpu.memory_space<vmem>>, vector<128x1x768xf32>
    %get3A_127 = vector.shape_cast %get3A_126 : vector<128x1x768xf32> to vector<128x768xf32>
    %add3A_128 = arith.addf %add3A_122, %get3A_127 : vector<128x768xf32>
    %get3A_129 = arith.constant 0 : index
    %get3A_130 = arith.constant 4 : index
    %get3A_131 = arith.constant 0 : index
    %get3A_132 = vector.load %arg0[%get3A_129, %get3A_130, %get3A_131] : memref<128x9x768xf32, #tpu.memory_space<vmem>>, vector<128x1x768xf32>
    %get3A_133 = vector.shape_cast %get3A_132 : vector<128x1x768xf32> to vector<128x768xf32>
    %add3A_134 = arith.addf %add3A_128, %get3A_133 : vector<128x768xf32>
    %get3A_135 = arith.constant 0 : index
    %get3A_136 = arith.constant 5 : index
    %get3A_137 = arith.constant 0 : index
    %get3A_138 = vector.load %arg0[%get3A_135, %get3A_136, %get3A_137] : memref<128x9x768xf32, #tpu.memory_space<vmem>>, vector<128x1x768xf32>
    %get3A_139 = vector.shape_cast %get3A_138 : vector<128x1x768xf32> to vector<128x768xf32>
    %add3A_140 = arith.addf %add3A_134, %get3A_139 : vector<128x768xf32>
    %get3A_141 = arith.constant 0 : index
    %get3A_142 = arith.constant 6 : index
    %get3A_143 = arith.constant 0 : index
    %get3A_144 = vector.load %arg0[%get3A_141, %get3A_142, %get3A_143] : memref<128x9x768xf32, #tpu.memory_space<vmem>>, vector<128x1x768xf32>
    %get3A_145 = vector.shape_cast %get3A_144 : vector<128x1x768xf32> to vector<128x768xf32>
    %add3A_146 = arith.addf %add3A_140, %get3A_145 : vector<128x768xf32>
    %get3A_147 = arith.constant 0 : index
    %get3A_148 = arith.constant 7 : index
    %get3A_149 = arith.constant 0 : index
    %get3A_150 = vector.load %arg0[%get3A_147, %get3A_148, %get3A_149] : memref<128x9x768xf32, #tpu.memory_space<vmem>>, vector<128x1x768xf32>
    %get3A_151 = vector.shape_cast %get3A_150 : vector<128x1x768xf32> to vector<128x768xf32>
    %add3A_152 = arith.addf %add3A_146, %get3A_151 : vector<128x768xf32>
    %get3A_153 = arith.constant 0 : index
    %get3A_154 = arith.constant 8 : index
    %get3A_155 = arith.constant 0 : index
    %get3A_156 = vector.load %arg0[%get3A_153, %get3A_154, %get3A_155] : memref<128x9x768xf32, #tpu.memory_space<vmem>>, vector<128x1x768xf32>
    %get3A_157 = vector.shape_cast %get3A_156 : vector<128x1x768xf32> to vector<128x768xf32>
    %add3A_158 = arith.addf %add3A_152, %get3A_157 : vector<128x768xf32>
    %mul3A_159 = arith.constant 0.111111112 : f32
    %mul3A_160 = vector.broadcast %mul3A_159 : f32 to vector<128x768xf32>
    %mul3A_161 = arith.mulf %add3A_158, %mul3A_160 : vector<128x768xf32>
    %mul3A_162 = arith.mulf %mul3A_161, %mul3A_161 : vector<128x768xf32>
    %reduce_sum3A_163 = arith.constant dense<0.000000e+00> : vector<128xf32>
    %reduce_sum3A_164 = vector.multi_reduction <add>, %mul3A_162, %reduce_sum3A_163 [1] : vector<128x768xf32> to vector<128xf32>
    %broadcast_in_dim3A_165 = vector.shape_cast %reduce_sum3A_164 : vector<128xf32> to vector<128x1xf32>
    %sqrt3A_166 = math.sqrt %broadcast_in_dim3A_165 : vector<128x1xf32>
    %max3A_167 = arith.constant 9.99999996E-13 : f32
    %max3A_168 = vector.broadcast %max3A_167 : f32 to vector<128x1xf32>
    %max3A_169 = arith.maximumf %sqrt3A_166, %max3A_168 : vector<128x1xf32>
    %div3A_170 = vector.broadcast %max3A_169 : vector<128x1xf32> to vector<128x768xf32>
    %div3A_171 = arith.divf %mul3A_161, %div3A_170 : vector<128x768xf32>
    %concatenate3A = tpu.concatenate %div3A_51, %div3A_105, %div3A_171 in 1 : vector<128x768xf32>, vector<128x768xf32>, vector<128x768xf32> -> vector<128x2304xf32>
    %get3A_172 = arith.constant 0 : index
    %get3A_173 = arith.constant 0 : index
    %get3A_174 = vector.load %arg3[%get3A_172, %get3A_173] : memref<1800x2304xf32, #tpu.memory_space<vmem>>, vector<1800x2304xf32>
    %dot_general3A = arith.constant dense<0.000000e+00> : vector<128x1800xf32>
    %dot_general3A_175 = tpu.matmul %concatenate3A, %get3A_174, %dot_general3A {dimension_numbers = #tpu.dot_dimension_numbers<[1], [1], [0], [0], [0, 0, 1, 0], [], []>, transpose_lhs_hint = false} : vector<128x2304xf32>, vector<1800x2304xf32>, vector<128x1800xf32> -> vector<128x1800xf32>
    %get3A_176 = arith.constant 0 : index
    %get3A_177 = arith.constant 0 : index
    %get3A_178 = vector.load %arg4[%get3A_176, %get3A_177] : memref<1x1800xf32, #tpu.memory_space<vmem>>, vector<1x1800xf32>
    %add3A_179 = vector.broadcast %get3A_178 : vector<1x1800xf32> to vector<128x1800xf32>
    %add3A_180 = arith.addf %dot_general3A_175, %add3A_179 : vector<128x1800xf32>
    %max3A_181 = arith.constant 0.000000e+00 : f32
    %max3A_182 = vector.broadcast %max3A_181 : f32 to vector<128x1800xf32>
    %max3A_183 = arith.maximumf %add3A_180, %max3A_182 : vector<128x1800xf32>
    %get3A_184 = arith.constant 0 : index
    %get3A_185 = arith.constant 0 : index
    %get3A_186 = vector.load %arg5[%get3A_184, %get3A_185] : memref<1250x1800xf32, #tpu.memory_space<vmem>>, vector<1250x1800xf32>
    %dot_general3A_187 = arith.constant dense<0.000000e+00> : vector<128x1250xf32>
    %dot_general3A_188 = tpu.matmul %max3A_183, %get3A_186, %dot_general3A_187 {dimension_numbers = #tpu.dot_dimension_numbers<[1], [1], [0], [0], [0, 0, 1, 0], [], []>, transpose_lhs_hint = false} : vector<128x1800xf32>, vector<1250x1800xf32>, vector<128x1250xf32> -> vector<128x1250xf32>
    %get3A_189 = arith.constant 0 : index
    %get3A_190 = arith.constant 0 : index
    %get3A_191 = vector.load %arg6[%get3A_189, %get3A_190] : memref<1x1250xf32, #tpu.memory_space<vmem>>, vector<1x1250xf32>
    %add3A_192 = vector.broadcast %get3A_191 : vector<1x1250xf32> to vector<128x1250xf32>
    %add3A_193 = arith.addf %dot_general3A_188, %add3A_192 : vector<128x1250xf32>
    %max3A_194 = arith.constant 0.000000e+00 : f32
    %max3A_195 = vector.broadcast %max3A_194 : f32 to vector<128x1250xf32>
    %max3A_196 = arith.maximumf %add3A_193, %max3A_195 : vector<128x1250xf32>
    %get3A_197 = arith.constant 0 : index
    %get3A_198 = arith.constant 0 : index
    %get3A_199 = vector.load %arg7[%get3A_197, %get3A_198] : memref<900x1250xf32, #tpu.memory_space<vmem>>, vector<900x1250xf32>
    %dot_general3A_200 = arith.constant dense<0.000000e+00> : vector<128x900xf32>
    %dot_general3A_201 = tpu.matmul %max3A_196, %get3A_199, %dot_general3A_200 {dimension_numbers = #tpu.dot_dimension_numbers<[1], [1], [0], [0], [0, 0, 1, 0], [], []>, transpose_lhs_hint = false} : vector<128x1250xf32>, vector<900x1250xf32>, vector<128x900xf32> -> vector<128x900xf32>
    %get3A_202 = arith.constant 0 : index
    %get3A_203 = arith.constant 0 : index
    %get3A_204 = vector.load %arg8[%get3A_202, %get3A_203] : memref<1x900xf32, #tpu.memory_space<vmem>>, vector<1x900xf32>
    %add3A_205 = vector.broadcast %get3A_204 : vector<1x900xf32> to vector<128x900xf32>
    %add3A_206 = arith.addf %dot_general3A_201, %add3A_205 : vector<128x900xf32>
    %max3A_207 = arith.constant 0.000000e+00 : f32
    %max3A_208 = vector.broadcast %max3A_207 : f32 to vector<128x900xf32>
    %max3A_209 = arith.maximumf %add3A_206, %max3A_208 : vector<128x900xf32>
    %get3A_210 = arith.constant 0 : index
    %get3A_211 = arith.constant 0 : index
    %get3A_212 = vector.load %arg9[%get3A_210, %get3A_211] : memref<768x900xf32, #tpu.memory_space<vmem>>, vector<768x900xf32>
    %dot_general3A_213 = arith.constant dense<0.000000e+00> : vector<128x768xf32>
    %dot_general3A_214 = tpu.matmul %max3A_209, %get3A_212, %dot_general3A_213 {dimension_numbers = #tpu.dot_dimension_numbers<[1], [1], [0], [0], [0, 0, 1, 0], [], []>, transpose_lhs_hint = false} : vector<128x900xf32>, vector<768x900xf32>, vector<128x768xf32> -> vector<128x768xf32>
    %get3A_215 = arith.constant 0 : index
    %get3A_216 = arith.constant 0 : index
    %get3A_217 = vector.load %arg10[%get3A_215, %get3A_216] : memref<1x768xf32, #tpu.memory_space<vmem>>, vector<1x768xf32>
    %add3A_218 = vector.broadcast %get3A_217 : vector<1x768xf32> to vector<128x768xf32>
    %add3A_219 = arith.addf %dot_general3A_214, %add3A_218 : vector<128x768xf32>
    %mul3A_220 = arith.mulf %add3A_219, %add3A_219 : vector<128x768xf32>
    %reduce_sum3A_221 = arith.constant dense<0.000000e+00> : vector<128xf32>
    %reduce_sum3A_222 = vector.multi_reduction <add>, %mul3A_220, %reduce_sum3A_221 [1] : vector<128x768xf32> to vector<128xf32>
    %broadcast_in_dim3A_223 = vector.shape_cast %reduce_sum3A_222 : vector<128xf32> to vector<128x1xf32>
    %sqrt3A_224 = math.sqrt %broadcast_in_dim3A_223 : vector<128x1xf32>
    %max3A_225 = arith.constant 9.99999996E-13 : f32
    %max3A_226 = vector.broadcast %max3A_225 : f32 to vector<128x1xf32>
    %max3A_227 = arith.maximumf %sqrt3A_224, %max3A_226 : vector<128x1xf32>
    %div3A_228 = vector.broadcast %max3A_227 : vector<128x1xf32> to vector<128x768xf32>
    %div3A_229 = arith.divf %add3A_219, %div3A_228 : vector<128x768xf32>
    %swap3A = arith.constant 0 : index
    %swap3A_230 = arith.constant 0 : index
    %swap3A_231 = vector.load %arg11[%swap3A, %swap3A_230] : memref<128x768xf32, #tpu.memory_space<vmem>>, vector<128x768xf32>
    tpu.vector_store %arg11[%swap3A, %swap3A_230], %div3A_229 {strides = array<i32>} : memref<128x768xf32, #tpu.memory_space<vmem>>, vector<128x768xf32>,
    return
  }
}

module attributes {stable_mosaic.version = 14 : i64} {
  func.func @_sims_body(%arg0: i32, %arg1: memref<128x768xf32, #tpu.memory_space<vmem>>, %arg2: memref<2048x768xf32, #tpu.memory_space<vmem>>, %arg3: memref<128x2048xf32, #tpu.memory_space<vmem>>, %arg4: memref<1x128x16xf32, #tpu.memory_space<vmem>>) attributes {dimension_semantics = [#tpu.dimension_semantics<arbitrary>], iteration_bounds = array<i64: 49>, scalar_prefetch = 0 : i64, scratch_operands = 0 : i64, tpu.core_type = #tpu.core_type<tc>, window_params = [{pipeline_mode = #tpu.pipeline_mode<synchronous>, transform_indices = @transform_0, window_bounds = array<i64: 128, 768>}, {transform_indices = @transform_1, window_bounds = array<i64: 2048, 768>}, {transform_indices = @transform_2, window_bounds = array<i64: 128, 2048>}, {transform_indices = @transform_3, window_bounds = array<i64: 1, 128, 16>}]} {
    %get3A = arith.constant 0 : index
    %get3A_0 = arith.constant 0 : index
    %get3A_1 = vector.load %arg2[%get3A, %get3A_0] : memref<2048x768xf32, #tpu.memory_space<vmem>>, vector<2048x768xf32>
    %mul3A = arith.mulf %get3A_1, %get3A_1 : vector<2048x768xf32>
    %reduce_sum3A = arith.constant dense<0.000000e+00> : vector<2048xf32>
    %reduce_sum3A_2 = vector.multi_reduction <add>, %mul3A, %reduce_sum3A [1] : vector<2048x768xf32> to vector<2048xf32>
    %broadcast_in_dim3A = vector.shape_cast %reduce_sum3A_2 : vector<2048xf32> to vector<2048x1xf32>
    %sqrt3A = math.sqrt %broadcast_in_dim3A : vector<2048x1xf32>
    %max3A = arith.constant 9.99999996E-13 : f32
    %max3A_3 = vector.broadcast %max3A : f32 to vector<2048x1xf32>
    %max3A_4 = arith.maximumf %sqrt3A, %max3A_3 : vector<2048x1xf32>
    %div3A = vector.broadcast %max3A_4 : vector<2048x1xf32> to vector<2048x768xf32>
    %div3A_5 = arith.divf %get3A_1, %div3A : vector<2048x768xf32>
    %get3A_6 = arith.constant 0 : index
    %get3A_7 = arith.constant 0 : index
    %get3A_8 = vector.load %arg1[%get3A_6, %get3A_7] : memref<128x768xf32, #tpu.memory_space<vmem>>, vector<128x768xf32>
    %dot_general3A = arith.constant dense<0.000000e+00> : vector<128x2048xf32>
    %dot_general3A_9 = tpu.matmul %get3A_8, %div3A_5, %dot_general3A {dimension_numbers = #tpu.dot_dimension_numbers<[1], [1], [0], [0], [0, 0, 1, 0], [], []>, transpose_lhs_hint = false} : vector<128x768xf32>, vector<2048x768xf32>, vector<128x2048xf32> -> vector<128x2048xf32>
    %mul3A_10 = arith.constant 2048 : i32
    %mul3A_11 = arith.muli %arg0, %mul3A_10 : i32
    %iota3A = tpu.iota {dimensions = array<i32: 1>} : vector<128x2048xi32>
    %add3A = vector.broadcast %mul3A_11 : i32 to vector<128x2048xi32>
    %add3A_12 = arith.addi %add3A, %iota3A : vector<128x2048xi32>
    %lt3A = arith.constant 100000 : i32
    %lt3A_13 = vector.broadcast %lt3A : i32 to vector<128x2048xi32>
    %lt3A_14 = arith.cmpi slt, %add3A_12, %lt3A_13 : vector<128x2048xi32>
    %jit3A = arith.constant 0xFF800000 : f32
    %broadcast_in_dim3A_15 = vector.broadcast %jit3A : f32 to vector<128x2048xf32>
    %select_n3A = arith.select %lt3A_14, %dot_general3A_9, %broadcast_in_dim3A_15 : vector<128x2048xi1>, vector<128x2048xf32>
    %swap3A = arith.constant 0 : index
    %swap3A_16 = arith.constant 0 : index
    %swap3A_17 = vector.load %arg3[%swap3A, %swap3A_16] : memref<128x2048xf32, #tpu.memory_space<vmem>>, vector<128x2048xf32>
    tpu.vector_store %arg3[%swap3A, %swap3A_16], %select_n3A {strides = array<i32>} : memref<128x2048xf32, #tpu.memory_space<vmem>>, vector<128x2048xf32>,
    %slice3A = vector.extract_strided_slice %select_n3A {offsets = [0, 0], sizes = [128, 128], strides = [1, 1]} : vector<128x2048xf32> to vector<128x128xf32>
    %reduce_max3A = arith.constant dense<0xFF800000> : vector<128xf32>
    %reduce_max3A_18 = vector.multi_reduction <maximumf>, %slice3A, %reduce_max3A [1] : vector<128x128xf32> to vector<128xf32>
    %broadcast_in_dim3A_19 = vector.shape_cast %reduce_max3A_18 : vector<128xf32> to vector<128x1xf32>
    %slice3A_20 = vector.extract_strided_slice %select_n3A {offsets = [0, 128], sizes = [128, 128], strides = [1, 1]} : vector<128x2048xf32> to vector<128x128xf32>
    %reduce_max3A_21 = arith.constant dense<0xFF800000> : vector<128xf32>
    %reduce_max3A_22 = vector.multi_reduction <maximumf>, %slice3A_20, %reduce_max3A_21 [1] : vector<128x128xf32> to vector<128xf32>
    %broadcast_in_dim3A_23 = vector.shape_cast %reduce_max3A_22 : vector<128xf32> to vector<128x1xf32>
    %slice3A_24 = vector.extract_strided_slice %select_n3A {offsets = [0, 256], sizes = [128, 128], strides = [1, 1]} : vector<128x2048xf32> to vector<128x128xf32>
    %reduce_max3A_25 = arith.constant dense<0xFF800000> : vector<128xf32>
    %reduce_max3A_26 = vector.multi_reduction <maximumf>, %slice3A_24, %reduce_max3A_25 [1] : vector<128x128xf32> to vector<128xf32>
    %broadcast_in_dim3A_27 = vector.shape_cast %reduce_max3A_26 : vector<128xf32> to vector<128x1xf32>
    %slice3A_28 = vector.extract_strided_slice %select_n3A {offsets = [0, 384], sizes = [128, 128], strides = [1, 1]} : vector<128x2048xf32> to vector<128x128xf32>
    %reduce_max3A_29 = arith.constant dense<0xFF800000> : vector<128xf32>
    %reduce_max3A_30 = vector.multi_reduction <maximumf>, %slice3A_28, %reduce_max3A_29 [1] : vector<128x128xf32> to vector<128xf32>
    %broadcast_in_dim3A_31 = vector.shape_cast %reduce_max3A_30 : vector<128xf32> to vector<128x1xf32>
    %slice3A_32 = vector.extract_strided_slice %select_n3A {offsets = [0, 512], sizes = [128, 128], strides = [1, 1]} : vector<128x2048xf32> to vector<128x128xf32>
    %reduce_max3A_33 = arith.constant dense<0xFF800000> : vector<128xf32>
    %reduce_max3A_34 = vector.multi_reduction <maximumf>, %slice3A_32, %reduce_max3A_33 [1] : vector<128x128xf32> to vector<128xf32>
    %broadcast_in_dim3A_35 = vector.shape_cast %reduce_max3A_34 : vector<128xf32> to vector<128x1xf32>
    %slice3A_36 = vector.extract_strided_slice %select_n3A {offsets = [0, 640], sizes = [128, 128], strides = [1, 1]} : vector<128x2048xf32> to vector<128x128xf32>
    %reduce_max3A_37 = arith.constant dense<0xFF800000> : vector<128xf32>
    %reduce_max3A_38 = vector.multi_reduction <maximumf>, %slice3A_36, %reduce_max3A_37 [1] : vector<128x128xf32> to vector<128xf32>
    %broadcast_in_dim3A_39 = vector.shape_cast %reduce_max3A_38 : vector<128xf32> to vector<128x1xf32>
    %slice3A_40 = vector.extract_strided_slice %select_n3A {offsets = [0, 768], sizes = [128, 128], strides = [1, 1]} : vector<128x2048xf32> to vector<128x128xf32>
    %reduce_max3A_41 = arith.constant dense<0xFF800000> : vector<128xf32>
    %reduce_max3A_42 = vector.multi_reduction <maximumf>, %slice3A_40, %reduce_max3A_41 [1] : vector<128x128xf32> to vector<128xf32>
    %broadcast_in_dim3A_43 = vector.shape_cast %reduce_max3A_42 : vector<128xf32> to vector<128x1xf32>
    %slice3A_44 = vector.extract_strided_slice %select_n3A {offsets = [0, 896], sizes = [128, 128], strides = [1, 1]} : vector<128x2048xf32> to vector<128x128xf32>
    %reduce_max3A_45 = arith.constant dense<0xFF800000> : vector<128xf32>
    %reduce_max3A_46 = vector.multi_reduction <maximumf>, %slice3A_44, %reduce_max3A_45 [1] : vector<128x128xf32> to vector<128xf32>
    %broadcast_in_dim3A_47 = vector.shape_cast %reduce_max3A_46 : vector<128xf32> to vector<128x1xf32>
    %slice3A_48 = vector.extract_strided_slice %select_n3A {offsets = [0, 1024], sizes = [128, 128], strides = [1, 1]} : vector<128x2048xf32> to vector<128x128xf32>
    %reduce_max3A_49 = arith.constant dense<0xFF800000> : vector<128xf32>
    %reduce_max3A_50 = vector.multi_reduction <maximumf>, %slice3A_48, %reduce_max3A_49 [1] : vector<128x128xf32> to vector<128xf32>
    %broadcast_in_dim3A_51 = vector.shape_cast %reduce_max3A_50 : vector<128xf32> to vector<128x1xf32>
    %slice3A_52 = vector.extract_strided_slice %select_n3A {offsets = [0, 1152], sizes = [128, 128], strides = [1, 1]} : vector<128x2048xf32> to vector<128x128xf32>
    %reduce_max3A_53 = arith.constant dense<0xFF800000> : vector<128xf32>
    %reduce_max3A_54 = vector.multi_reduction <maximumf>, %slice3A_52, %reduce_max3A_53 [1] : vector<128x128xf32> to vector<128xf32>
    %broadcast_in_dim3A_55 = vector.shape_cast %reduce_max3A_54 : vector<128xf32> to vector<128x1xf32>
    %slice3A_56 = vector.extract_strided_slice %select_n3A {offsets = [0, 1280], sizes = [128, 128], strides = [1, 1]} : vector<128x2048xf32> to vector<128x128xf32>
    %reduce_max3A_57 = arith.constant dense<0xFF800000> : vector<128xf32>
    %reduce_max3A_58 = vector.multi_reduction <maximumf>, %slice3A_56, %reduce_max3A_57 [1] : vector<128x128xf32> to vector<128xf32>
    %broadcast_in_dim3A_59 = vector.shape_cast %reduce_max3A_58 : vector<128xf32> to vector<128x1xf32>
    %slice3A_60 = vector.extract_strided_slice %select_n3A {offsets = [0, 1408], sizes = [128, 128], strides = [1, 1]} : vector<128x2048xf32> to vector<128x128xf32>
    %reduce_max3A_61 = arith.constant dense<0xFF800000> : vector<128xf32>
    %reduce_max3A_62 = vector.multi_reduction <maximumf>, %slice3A_60, %reduce_max3A_61 [1] : vector<128x128xf32> to vector<128xf32>
    %broadcast_in_dim3A_63 = vector.shape_cast %reduce_max3A_62 : vector<128xf32> to vector<128x1xf32>
    %slice3A_64 = vector.extract_strided_slice %select_n3A {offsets = [0, 1536], sizes = [128, 128], strides = [1, 1]} : vector<128x2048xf32> to vector<128x128xf32>
    %reduce_max3A_65 = arith.constant dense<0xFF800000> : vector<128xf32>
    %reduce_max3A_66 = vector.multi_reduction <maximumf>, %slice3A_64, %reduce_max3A_65 [1] : vector<128x128xf32> to vector<128xf32>
    %broadcast_in_dim3A_67 = vector.shape_cast %reduce_max3A_66 : vector<128xf32> to vector<128x1xf32>
    %slice3A_68 = vector.extract_strided_slice %select_n3A {offsets = [0, 1664], sizes = [128, 128], strides = [1, 1]} : vector<128x2048xf32> to vector<128x128xf32>
    %reduce_max3A_69 = arith.constant dense<0xFF800000> : vector<128xf32>
    %reduce_max3A_70 = vector.multi_reduction <maximumf>, %slice3A_68, %reduce_max3A_69 [1] : vector<128x128xf32> to vector<128xf32>
    %broadcast_in_dim3A_71 = vector.shape_cast %reduce_max3A_70 : vector<128xf32> to vector<128x1xf32>
    %slice3A_72 = vector.extract_strided_slice %select_n3A {offsets = [0, 1792], sizes = [128, 128], strides = [1, 1]} : vector<128x2048xf32> to vector<128x128xf32>
    %reduce_max3A_73 = arith.constant dense<0xFF800000> : vector<128xf32>
    %reduce_max3A_74 = vector.multi_reduction <maximumf>, %slice3A_72, %reduce_max3A_73 [1] : vector<128x128xf32> to vector<128xf32>
    %broadcast_in_dim3A_75 = vector.shape_cast %reduce_max3A_74 : vector<128xf32> to vector<128x1xf32>
    %slice3A_76 = vector.extract_strided_slice %select_n3A {offsets = [0, 1920], sizes = [128, 128], strides = [1, 1]} : vector<128x2048xf32> to vector<128x128xf32>
    %reduce_max3A_77 = arith.constant dense<0xFF800000> : vector<128xf32>
    %reduce_max3A_78 = vector.multi_reduction <maximumf>, %slice3A_76, %reduce_max3A_77 [1] : vector<128x128xf32> to vector<128xf32>
    %broadcast_in_dim3A_79 = vector.shape_cast %reduce_max3A_78 : vector<128xf32> to vector<128x1xf32>
    %concatenate3A = tpu.concatenate %broadcast_in_dim3A_19, %broadcast_in_dim3A_23, %broadcast_in_dim3A_27, %broadcast_in_dim3A_31, %broadcast_in_dim3A_35, %broadcast_in_dim3A_39, %broadcast_in_dim3A_43, %broadcast_in_dim3A_47, %broadcast_in_dim3A_51, %broadcast_in_dim3A_55, %broadcast_in_dim3A_59, %broadcast_in_dim3A_63, %broadcast_in_dim3A_67, %broadcast_in_dim3A_71, %broadcast_in_dim3A_75, %broadcast_in_dim3A_79 in 1 : vector<128x1xf32>, vector<128x1xf32>, vector<128x1xf32>, vector<128x1xf32>, vector<128x1xf32>, vector<128x1xf32>, vector<128x1xf32>, vector<128x1xf32>, vector<128x1xf32>, vector<128x1xf32>, vector<128x1xf32>, vector<128x1xf32>, vector<128x1xf32>, vector<128x1xf32>, vector<128x1xf32>, vector<128x1xf32> -> vector<128x16xf32>
    %swap3A_80 = arith.constant 0 : index
    %swap3A_81 = arith.constant 0 : index
    %swap3A_82 = arith.constant 0 : index
    %swap3A_83 = vector.load %arg4[%swap3A_80, %swap3A_81, %swap3A_82] : memref<1x128x16xf32, #tpu.memory_space<vmem>>, vector<1x128x16xf32>
    %swap3A_84 = vector.shape_cast %swap3A_83 : vector<1x128x16xf32> to vector<128x16xf32>
    %swap3A_85 = vector.shape_cast %concatenate3A : vector<128x16xf32> to vector<1x128x16xf32>
    tpu.vector_store %arg4[%swap3A_80, %swap3A_81, %swap3A_82], %swap3A_85 {strides = array<i32>} : memref<1x128x16xf32, #tpu.memory_space<vmem>>, vector<1x128x16xf32>,
    return
  }
  func.func @transform_0(%arg0: i32) -> (i32, i32) {
    %c0_i32 = arith.constant 0 : i32
    %c0_i32_0 = arith.constant 0 : i32
    %c0_i32_1 = arith.constant 0 : i32
    return %c0_i32, %c0_i32_0 : i32, i32
  }
  func.func @transform_1(%arg0: i32) -> (i32, i32) {
    %c0_i32 = arith.constant 0 : i32
    %c0_i32_0 = arith.constant 0 : i32
    return %arg0, %c0_i32 : i32, i32
  }
  func.func @transform_2(%arg0: i32) -> (i32, i32) {
    %c0_i32 = arith.constant 0 : i32
    %c0_i32_0 = arith.constant 0 : i32
    return %c0_i32, %arg0 : i32, i32
  }
  func.func @transform_3(%arg0: i32) -> (i32, i32, i32) {
    %c0_i32 = arith.constant 0 : i32
    %c0_i32_0 = arith.constant 0 : i32
    %c0_i32_1 = arith.constant 0 : i32
    return %arg0, %c0_i32, %c0_i32_0 : i32, i32, i32
  }
}

module attributes {stable_mosaic.version = 14 : i64} {
  func.func @_topk_body(%arg0: memref<128x784xf32, #tpu.memory_space<vmem>>, %arg1: memref<128x784xi32, #tpu.memory_space<vmem>>, %arg2: memref<128x80xi32, #tpu.memory_space<vmem>>) attributes {dimension_semantics = [], scalar_prefetch = 0 : i64, scratch_operands = 0 : i64, tpu.core_type = #tpu.core_type<tc>} {
    %get3A = arith.constant 0 : index
    %get3A_0 = arith.constant 0 : index
    %get3A_1 = vector.load %arg0[%get3A, %get3A_0] : memref<128x784xf32, #tpu.memory_space<vmem>>, vector<128x784xf32>
    %get3A_2 = arith.constant 0 : index
    %get3A_3 = arith.constant 0 : index
    %get3A_4 = vector.load %arg1[%get3A_2, %get3A_3] : memref<128x784xi32, #tpu.memory_space<vmem>>, vector<128x784xi32>
    %iota3A = tpu.iota {dimensions = array<i32: 1>} : vector<128x80xi32>
    %broadcast_in_dim3A = arith.constant 0 : i32
    %broadcast_in_dim3A_5 = vector.broadcast %broadcast_in_dim3A : i32 to vector<128x80xi32>
    %scan3A = arith.constant 0 : i32
    %scan3A_6 = arith.constant 80 : i32
    %scan3A_7 = arith.addi %scan3A, %scan3A_6 : i32
    %scan3A_8 = arith.constant 1 : i32
    %scan3A_9:2 = scf.for %scan3A_13 = %scan3A to %scan3A_7 step %scan3A_8 iter_args(%scan3A_14 = %get3A_1, %scan3A_15 = %broadcast_in_dim3A_5) -> (vector<128x784xf32>, vector<128x80xi32>)  : i32 {
      %reduce_max3A = arith.constant dense<0xFF800000> : vector<128xf32>
      %reduce_max3A_16 = vector.multi_reduction <maximumf>, %scan3A_14, %reduce_max3A [1] : vector<128x784xf32> to vector<128xf32>
      %broadcast_in_dim3A_17 = vector.shape_cast %reduce_max3A_16 : vector<128xf32> to vector<128x1xf32>
      %eq3A = vector.broadcast %broadcast_in_dim3A_17 : vector<128x1xf32> to vector<128x784xf32>
      %eq3A_18 = arith.cmpf oeq, %scan3A_14, %eq3A : vector<128x784xf32>
      %jit3A = arith.constant 2147483647 : i32
      %broadcast_in_dim3A_19 = vector.broadcast %jit3A : i32 to vector<128x784xi32>
      %select_n3A = arith.select %eq3A_18, %get3A_4, %broadcast_in_dim3A_19 : vector<128x784xi1>, vector<128x784xi32>
      %reduce_min3A = arith.constant dense<2147483647> : vector<128xi32>
      %reduce_min3A_20 = vector.multi_reduction <minsi>, %select_n3A, %reduce_min3A [1] : vector<128x784xi32> to vector<128xi32>
      %broadcast_in_dim3A_21 = vector.shape_cast %reduce_min3A_20 : vector<128xi32> to vector<128x1xi32>
      %eq3A_22 = vector.broadcast %scan3A_13 : i32 to vector<128x80xi32>
      %eq3A_23 = arith.cmpi eq, %iota3A, %eq3A_22 : vector<128x80xi32>
      %broadcast_in_dim3A_24 = vector.shape_cast %broadcast_in_dim3A_21 : vector<128x1xi32> to vector<128x1xi32>
      %broadcast_in_dim3A_25 = vector.broadcast %broadcast_in_dim3A_24 : vector<128x1xi32> to vector<128x80xi32>
      %select_n3A_26 = arith.select %eq3A_23, %broadcast_in_dim3A_25, %scan3A_15 : vector<128x80xi1>, vector<128x80xi32>
      %eq3A_27 = vector.broadcast %broadcast_in_dim3A_21 : vector<128x1xi32> to vector<128x784xi32>
      %eq3A_28 = arith.cmpi eq, %get3A_4, %eq3A_27 : vector<128x784xi32>
      %jit3A_29 = arith.constant 0xFF800000 : f32
      %broadcast_in_dim3A_30 = vector.broadcast %jit3A_29 : f32 to vector<128x784xf32>
      %select_n3A_31 = arith.select %eq3A_28, %broadcast_in_dim3A_30, %scan3A_14 : vector<128x784xi1>, vector<128x784xf32>
      scf.yield %select_n3A_31, %select_n3A_26 : vector<128x784xf32>, vector<128x80xi32>
    }
    %scan3A_10 = arith.constant 80 : i32
    %swap3A = arith.constant 0 : index
    %swap3A_11 = arith.constant 0 : index
    %swap3A_12 = vector.load %arg2[%swap3A, %swap3A_11] : memref<128x80xi32, #tpu.memory_space<vmem>>, vector<128x80xi32>
    tpu.vector_store %arg2[%swap3A, %swap3A_11], %scan3A_9#1 {strides = array<i32>} : memref<128x80xi32, #tpu.memory_space<vmem>>, vector<128x80xi32>,
    return
  }
}

module attributes {stable_mosaic.version = 14 : i64} {
  func.func @_topk_body(%arg0: memref<128x10240xf32, #tpu.memory_space<vmem>>, %arg1: memref<128x10240xi32, #tpu.memory_space<vmem>>, %arg2: memref<128x80xi32, #tpu.memory_space<vmem>>) attributes {dimension_semantics = [], scalar_prefetch = 0 : i64, scratch_operands = 0 : i64, tpu.core_type = #tpu.core_type<tc>} {
    %get3A = arith.constant 0 : index
    %get3A_0 = arith.constant 0 : index
    %get3A_1 = vector.load %arg0[%get3A, %get3A_0] : memref<128x10240xf32, #tpu.memory_space<vmem>>, vector<128x10240xf32>
    %get3A_2 = arith.constant 0 : index
    %get3A_3 = arith.constant 0 : index
    %get3A_4 = vector.load %arg1[%get3A_2, %get3A_3] : memref<128x10240xi32, #tpu.memory_space<vmem>>, vector<128x10240xi32>
    %iota3A = tpu.iota {dimensions = array<i32: 1>} : vector<128x80xi32>
    %broadcast_in_dim3A = arith.constant 0 : i32
    %broadcast_in_dim3A_5 = vector.broadcast %broadcast_in_dim3A : i32 to vector<128x80xi32>
    %scan3A = arith.constant 0 : i32
    %scan3A_6 = arith.constant 80 : i32
    %scan3A_7 = arith.addi %scan3A, %scan3A_6 : i32
    %scan3A_8 = arith.constant 1 : i32
    %scan3A_9:2 = scf.for %scan3A_13 = %scan3A to %scan3A_7 step %scan3A_8 iter_args(%scan3A_14 = %get3A_1, %scan3A_15 = %broadcast_in_dim3A_5) -> (vector<128x10240xf32>, vector<128x80xi32>)  : i32 {
      %reduce_max3A = arith.constant dense<0xFF800000> : vector<128xf32>
      %reduce_max3A_16 = vector.multi_reduction <maximumf>, %scan3A_14, %reduce_max3A [1] : vector<128x10240xf32> to vector<128xf32>
      %broadcast_in_dim3A_17 = vector.shape_cast %reduce_max3A_16 : vector<128xf32> to vector<128x1xf32>
      %eq3A = vector.broadcast %broadcast_in_dim3A_17 : vector<128x1xf32> to vector<128x10240xf32>
      %eq3A_18 = arith.cmpf oeq, %scan3A_14, %eq3A : vector<128x10240xf32>
      %jit3A = arith.constant 2147483647 : i32
      %broadcast_in_dim3A_19 = vector.broadcast %jit3A : i32 to vector<128x10240xi32>
      %select_n3A = arith.select %eq3A_18, %get3A_4, %broadcast_in_dim3A_19 : vector<128x10240xi1>, vector<128x10240xi32>
      %reduce_min3A = arith.constant dense<2147483647> : vector<128xi32>
      %reduce_min3A_20 = vector.multi_reduction <minsi>, %select_n3A, %reduce_min3A [1] : vector<128x10240xi32> to vector<128xi32>
      %broadcast_in_dim3A_21 = vector.shape_cast %reduce_min3A_20 : vector<128xi32> to vector<128x1xi32>
      %eq3A_22 = vector.broadcast %scan3A_13 : i32 to vector<128x80xi32>
      %eq3A_23 = arith.cmpi eq, %iota3A, %eq3A_22 : vector<128x80xi32>
      %broadcast_in_dim3A_24 = vector.shape_cast %broadcast_in_dim3A_21 : vector<128x1xi32> to vector<128x1xi32>
      %broadcast_in_dim3A_25 = vector.broadcast %broadcast_in_dim3A_24 : vector<128x1xi32> to vector<128x80xi32>
      %select_n3A_26 = arith.select %eq3A_23, %broadcast_in_dim3A_25, %scan3A_15 : vector<128x80xi1>, vector<128x80xi32>
      %eq3A_27 = vector.broadcast %broadcast_in_dim3A_21 : vector<128x1xi32> to vector<128x10240xi32>
      %eq3A_28 = arith.cmpi eq, %get3A_4, %eq3A_27 : vector<128x10240xi32>
      %jit3A_29 = arith.constant 0xFF800000 : f32
      %broadcast_in_dim3A_30 = vector.broadcast %jit3A_29 : f32 to vector<128x10240xf32>
      %select_n3A_31 = arith.select %eq3A_28, %broadcast_in_dim3A_30, %scan3A_14 : vector<128x10240xi1>, vector<128x10240xf32>
      scf.yield %select_n3A_31, %select_n3A_26 : vector<128x10240xf32>, vector<128x80xi32>
    }
    %scan3A_10 = arith.constant 80 : i32
    %swap3A = arith.constant 0 : index
    %swap3A_11 = arith.constant 0 : index
    %swap3A_12 = vector.load %arg2[%swap3A, %swap3A_11] : memref<128x80xi32, #tpu.memory_space<vmem>>, vector<128x80xi32>
    tpu.vector_store %arg2[%swap3A, %swap3A_11], %scan3A_9#1 {strides = array<i32>} : memref<128x80xi32, #tpu.memory_space<vmem>>, vector<128x80xi32>,
    return
  }
}

module attributes {stable_mosaic.version = 14 : i64} {
  func.func @_scores_body(%arg0: i32, %arg1: memref<16x80x768xf32, #tpu.memory_space<vmem>>, %arg2: memref<16x9x768xf32, #tpu.memory_space<vmem>>, %arg3: memref<16x8x768xf32, #tpu.memory_space<vmem>>, %arg4: memref<16x7x768xf32, #tpu.memory_space<vmem>>, %arg5: memref<16x768xf32, #tpu.memory_space<vmem>>, %arg6: memref<16x768xf32, #tpu.memory_space<vmem>>, %arg7: memref<16x768xf32, #tpu.memory_space<vmem>>) attributes {dimension_semantics = [#tpu.dimension_semantics<arbitrary>], iteration_bounds = array<i64: 8>, scalar_prefetch = 0 : i64, scratch_operands = 0 : i64, tpu.core_type = #tpu.core_type<tc>, window_params = [{transform_indices = @transform_0, window_bounds = array<i64: 16, 80, 768>}, {transform_indices = @transform_1, window_bounds = array<i64: 16, 9, 768>}, {transform_indices = @transform_2, window_bounds = array<i64: 16, 8, 768>}, {transform_indices = @transform_3, window_bounds = array<i64: 16, 7, 768>}, {transform_indices = @transform_4, window_bounds = array<i64: 16, 768>}, {transform_indices = @transform_5, window_bounds = array<i64: 16, 768>}, {transform_indices = @transform_6, window_bounds = array<i64: 16, 768>}]} {
    %get3A = arith.constant 0 : index
    %get3A_0 = arith.constant 0 : index
    %get3A_1 = arith.constant 0 : index
    %get3A_2 = vector.load %arg1[%get3A, %get3A_0, %get3A_1] : memref<16x80x768xf32, #tpu.memory_space<vmem>>, vector<16x80x768xf32>
    %get3A_3 = arith.constant 0 : index
    %get3A_4 = arith.constant 0 : index
    %get3A_5 = arith.constant 0 : index
    %get3A_6 = vector.load %arg2[%get3A_3, %get3A_4, %get3A_5] : memref<16x9x768xf32, #tpu.memory_space<vmem>>, vector<16x9x768xf32>
    %get3A_7 = arith.constant 0 : index
    %get3A_8 = arith.constant 0 : index
    %get3A_9 = arith.constant 0 : index
    %get3A_10 = vector.load %arg3[%get3A_7, %get3A_8, %get3A_9] : memref<16x8x768xf32, #tpu.memory_space<vmem>>, vector<16x8x768xf32>
    %get3A_11 = arith.constant 0 : index
    %get3A_12 = arith.constant 0 : index
    %get3A_13 = arith.constant 0 : index
    %get3A_14 = vector.load %arg4[%get3A_11, %get3A_12, %get3A_13] : memref<16x7x768xf32, #tpu.memory_space<vmem>>, vector<16x7x768xf32>
    %concatenate3A = tpu.concatenate %get3A_6, %get3A_10, %get3A_14 in 1 : vector<16x9x768xf32>, vector<16x8x768xf32>, vector<16x7x768xf32> -> vector<16x24x768xf32>
    %iota3A = tpu.iota {dimensions = array<i32: 0>} : vector<320x96xi32>
    %iota3A_15 = tpu.iota {dimensions = array<i32: 1>} : vector<320x96xi32>
    %jit3A = arith.constant 80 : i32
    %div3A = vector.broadcast %jit3A : i32 to vector<320x96xi32>
    %div3A_16 = arith.divsi %iota3A, %div3A : vector<320x96xi32>
    %sign3A = arith.constant 0 : i32
    %sign3A_17 = vector.broadcast %sign3A : i32 to vector<320x96xi32>
    %sign3A_18 = arith.cmpi sgt, %iota3A, %sign3A_17 : vector<320x96xi32>
    %sign3A_19 = arith.extui %sign3A_18 : vector<320x96xi1> to vector<320x96xi32>
    %sign3A_20 = arith.constant 0 : i32
    %sign3A_21 = vector.broadcast %sign3A_20 : i32 to vector<320x96xi32>
    %sign3A_22 = arith.cmpi slt, %iota3A, %sign3A_21 : vector<320x96xi32>
    %sign3A_23 = arith.extui %sign3A_22 : vector<320x96xi1> to vector<320x96xi32>
    %sign3A_24 = arith.subi %sign3A_19, %sign3A_23 : vector<320x96xi32>
    %sign3A_25 = arith.constant 0 : i32
    %sign3A_26 = arith.cmpi sgt, %jit3A, %sign3A_25 : i32
    %sign3A_27 = arith.extui %sign3A_26 : i1 to i32
    %sign3A_28 = arith.constant 0 : i32
    %sign3A_29 = arith.cmpi slt, %jit3A, %sign3A_28 : i32
    %sign3A_30 = arith.extui %sign3A_29 : i1 to i32
    %sign3A_31 = arith.subi %sign3A_27, %sign3A_30 : i32
    %ne3A = vector.broadcast %sign3A_31 : i32 to vector<320x96xi32>
    %ne3A_32 = arith.cmpi ne, %sign3A_24, %ne3A : vector<320x96xi32>
    %rem3A = vector.broadcast %jit3A : i32 to vector<320x96xi32>
    %rem3A_33 = arith.remsi %iota3A, %rem3A : vector<320x96xi32>
    %ne3A_34 = arith.constant 0 : i32
    %ne3A_35 = vector.broadcast %ne3A_34 : i32 to vector<320x96xi32>
    %ne3A_36 = arith.cmpi ne, %rem3A_33, %ne3A_35 : vector<320x96xi32>
    %and3A = arith.andi %ne3A_32, %ne3A_36 : vector<320x96xi1>
    %sub3A = arith.constant 1 : i32
    %sub3A_37 = vector.broadcast %sub3A : i32 to vector<320x96xi32>
    %sub3A_38 = arith.subi %div3A_16, %sub3A_37 : vector<320x96xi32>
    %select_n3A = arith.select %and3A, %sub3A_38, %div3A_16 : vector<320x96xi1>, vector<320x96xi32>
    %jit3A_39 = arith.constant 24 : i32
    %div3A_40 = vector.broadcast %jit3A_39 : i32 to vector<320x96xi32>
    %div3A_41 = arith.divsi %iota3A_15, %div3A_40 : vector<320x96xi32>
    %sign3A_42 = arith.constant 0 : i32
    %sign3A_43 = vector.broadcast %sign3A_42 : i32 to vector<320x96xi32>
    %sign3A_44 = arith.cmpi sgt, %iota3A_15, %sign3A_43 : vector<320x96xi32>
    %sign3A_45 = arith.extui %sign3A_44 : vector<320x96xi1> to vector<320x96xi32>
    %sign3A_46 = arith.constant 0 : i32
    %sign3A_47 = vector.broadcast %sign3A_46 : i32 to vector<320x96xi32>
    %sign3A_48 = arith.cmpi slt, %iota3A_15, %sign3A_47 : vector<320x96xi32>
    %sign3A_49 = arith.extui %sign3A_48 : vector<320x96xi1> to vector<320x96xi32>
    %sign3A_50 = arith.subi %sign3A_45, %sign3A_49 : vector<320x96xi32>
    %sign3A_51 = arith.constant 0 : i32
    %sign3A_52 = arith.cmpi sgt, %jit3A_39, %sign3A_51 : i32
    %sign3A_53 = arith.extui %sign3A_52 : i1 to i32
    %sign3A_54 = arith.constant 0 : i32
    %sign3A_55 = arith.cmpi slt, %jit3A_39, %sign3A_54 : i32
    %sign3A_56 = arith.extui %sign3A_55 : i1 to i32
    %sign3A_57 = arith.subi %sign3A_53, %sign3A_56 : i32
    %ne3A_58 = vector.broadcast %sign3A_57 : i32 to vector<320x96xi32>
    %ne3A_59 = arith.cmpi ne, %sign3A_50, %ne3A_58 : vector<320x96xi32>
    %rem3A_60 = vector.broadcast %jit3A_39 : i32 to vector<320x96xi32>
    %rem3A_61 = arith.remsi %iota3A_15, %rem3A_60 : vector<320x96xi32>
    %ne3A_62 = arith.constant 0 : i32
    %ne3A_63 = vector.broadcast %ne3A_62 : i32 to vector<320x96xi32>
    %ne3A_64 = arith.cmpi ne, %rem3A_61, %ne3A_63 : vector<320x96xi32>
    %and3A_65 = arith.andi %ne3A_59, %ne3A_64 : vector<320x96xi1>
    %sub3A_66 = arith.constant 1 : i32
    %sub3A_67 = vector.broadcast %sub3A_66 : i32 to vector<320x96xi32>
    %sub3A_68 = arith.subi %div3A_41, %sub3A_67 : vector<320x96xi32>
    %select_n3A_69 = arith.select %and3A_65, %sub3A_68, %div3A_41 : vector<320x96xi1>, vector<320x96xi32>
    %eq3A = arith.cmpi eq, %select_n3A, %select_n3A_69 : vector<320x96xi32>
    %jit3A_70 = arith.constant 24 : i32
    %div3A_71 = vector.broadcast %jit3A_70 : i32 to vector<320x96xi32>
    %div3A_72 = arith.divsi %iota3A_15, %div3A_71 : vector<320x96xi32>
    %sign3A_73 = arith.constant 0 : i32
    %sign3A_74 = vector.broadcast %sign3A_73 : i32 to vector<320x96xi32>
    %sign3A_75 = arith.cmpi sgt, %iota3A_15, %sign3A_74 : vector<320x96xi32>
    %sign3A_76 = arith.extui %sign3A_75 : vector<320x96xi1> to vector<320x96xi32>
    %sign3A_77 = arith.constant 0 : i32
    %sign3A_78 = vector.broadcast %sign3A_77 : i32 to vector<320x96xi32>
    %sign3A_79 = arith.cmpi slt, %iota3A_15, %sign3A_78 : vector<320x96xi32>
    %sign3A_80 = arith.extui %sign3A_79 : vector<320x96xi1> to vector<320x96xi32>
    %sign3A_81 = arith.subi %sign3A_76, %sign3A_80 : vector<320x96xi32>
    %sign3A_82 = arith.constant 0 : i32
    %sign3A_83 = arith.cmpi sgt, %jit3A_70, %sign3A_82 : i32
    %sign3A_84 = arith.extui %sign3A_83 : i1 to i32
    %sign3A_85 = arith.constant 0 : i32
    %sign3A_86 = arith.cmpi slt, %jit3A_70, %sign3A_85 : i32
    %sign3A_87 = arith.extui %sign3A_86 : i1 to i32
    %sign3A_88 = arith.subi %sign3A_84, %sign3A_87 : i32
    %ne3A_89 = vector.broadcast %sign3A_88 : i32 to vector<320x96xi32>
    %ne3A_90 = arith.cmpi ne, %sign3A_81, %ne3A_89 : vector<320x96xi32>
    %rem3A_91 = vector.broadcast %jit3A_70 : i32 to vector<320x96xi32>
    %rem3A_92 = arith.remsi %iota3A_15, %rem3A_91 : vector<320x96xi32>
    %ne3A_93 = arith.constant 0 : i32
    %ne3A_94 = vector.broadcast %ne3A_93 : i32 to vector<320x96xi32>
    %ne3A_95 = arith.cmpi ne, %rem3A_92, %ne3A_94 : vector<320x96xi32>
    %and3A_96 = arith.andi %ne3A_90, %ne3A_95 : vector<320x96xi1>
    %sub3A_97 = arith.constant 1 : i32
    %sub3A_98 = vector.broadcast %sub3A_97 : i32 to vector<320x96xi32>
    %sub3A_99 = arith.subi %div3A_72, %sub3A_98 : vector<320x96xi32>
    %select_n3A_100 = arith.select %and3A_96, %sub3A_99, %div3A_72 : vector<320x96xi1>, vector<320x96xi32>
    %mul3A = arith.constant 24 : i32
    %mul3A_101 = vector.broadcast %mul3A : i32 to vector<320x96xi32>
    %mul3A_102 = arith.muli %select_n3A_100, %mul3A_101 : vector<320x96xi32>
    %sub3A_103 = arith.subi %iota3A_15, %mul3A_102 : vector<320x96xi32>
    %slice3A = vector.extract_strided_slice %get3A_2 {offsets = [0, 0, 0], sizes = [4, 80, 768], strides = [1, 1, 1]} : vector<16x80x768xf32> to vector<4x80x768xf32>
    %reshape3A = vector.shape_cast %slice3A : vector<4x80x768xf32> to vector<320x768xf32>
    %slice3A_104 = vector.extract_strided_slice %concatenate3A {offsets = [0, 0, 0], sizes = [4, 24, 768], strides = [1, 1, 1]} : vector<16x24x768xf32> to vector<4x24x768xf32>
    %reshape3A_105 = vector.shape_cast %slice3A_104 : vector<4x24x768xf32> to vector<96x768xf32>
    %dot_general3A = arith.constant dense<0.000000e+00> : vector<320x96xf32>
    %dot_general3A_106 = tpu.matmul %reshape3A, %reshape3A_105, %dot_general3A {dimension_numbers = #tpu.dot_dimension_numbers<[1], [1], [0], [0], [0, 0, 1, 0], [], []>, precision = #tpu.contract_precision<fp32>, transpose_lhs_hint = false} : vector<320x768xf32>, vector<96x768xf32>, vector<320x96xf32> -> vector<320x96xf32>
    %mul3A_107 = arith.mulf %reshape3A, %reshape3A : vector<320x768xf32>
    %reduce_sum3A = arith.constant dense<0.000000e+00> : vector<320xf32>
    %reduce_sum3A_108 = vector.multi_reduction <add>, %mul3A_107, %reduce_sum3A [1] : vector<320x768xf32> to vector<320xf32>
    %broadcast_in_dim3A = vector.shape_cast %reduce_sum3A_108 : vector<320xf32> to vector<320x1xf32>
    %sqrt3A = math.sqrt %broadcast_in_dim3A : vector<320x1xf32>
    %max3A = arith.constant 9.99999993E-9 : f32
    %max3A_109 = vector.broadcast %max3A : f32 to vector<320x1xf32>
    %max3A_110 = arith.maximumf %sqrt3A, %max3A_109 : vector<320x1xf32>
    %mul3A_111 = arith.mulf %slice3A_104, %slice3A_104 : vector<4x24x768xf32>
    %reduce_sum3A_112 = arith.constant dense<0.000000e+00> : vector<4x24xf32>
    %reduce_sum3A_113 = vector.multi_reduction <add>, %mul3A_111, %reduce_sum3A_112 [2] : vector<4x24x768xf32> to vector<4x24xf32>
    %sqrt3A_114 = math.sqrt %reduce_sum3A_113 : vector<4x24xf32>
    %max3A_115 = arith.constant 9.99999993E-9 : f32
    %max3A_116 = vector.broadcast %max3A_115 : f32 to vector<4x24xf32>
    %max3A_117 = arith.maximumf %sqrt3A_114, %max3A_116 : vector<4x24xf32>
    %reshape3A_118 = vector.shape_cast %max3A_117 : vector<4x24xf32> to vector<1x96xf32>
    %mul3A_119 = vector.broadcast %max3A_110 : vector<320x1xf32> to vector<320x96xf32>
    %mul3A_120 = vector.broadcast %reshape3A_118 : vector<1x96xf32> to vector<320x96xf32>
    %mul3A_121 = arith.mulf %mul3A_119, %mul3A_120 : vector<320x96xf32>
    %div3A_122 = arith.divf %dot_general3A_106, %mul3A_121 : vector<320x96xf32>
    %ge3A = arith.constant 9 : i32
    %ge3A_123 = vector.broadcast %ge3A : i32 to vector<320x96xi32>
    %ge3A_124 = arith.cmpi sge, %sub3A_103, %ge3A_123 : vector<320x96xi32>
    %and3A_125 = arith.andi %eq3A, %ge3A_124 : vector<320x96xi1>
    %jit3A_126 = arith.constant 0xFF800000 : f32
    %broadcast_in_dim3A_127 = vector.broadcast %jit3A_126 : f32 to vector<320x96xf32>
    %select_n3A_128 = arith.select %and3A_125, %div3A_122, %broadcast_in_dim3A_127 : vector<320x96xi1>, vector<320x96xf32>
    %reduce_max3A = arith.constant dense<0xFF800000> : vector<320xf32>
    %reduce_max3A_129 = vector.multi_reduction <maximumf>, %select_n3A_128, %reduce_max3A [1] : vector<320x96xf32> to vector<320xf32>
    %broadcast_in_dim3A_130 = vector.shape_cast %reduce_max3A_129 : vector<320xf32> to vector<320x1xf32>
    %lt3A = arith.constant 9 : i32
    %lt3A_131 = vector.broadcast %lt3A : i32 to vector<320x96xi32>
    %lt3A_132 = arith.cmpi slt, %sub3A_103, %lt3A_131 : vector<320x96xi32>
    %and3A_133 = arith.andi %eq3A, %lt3A_132 : vector<320x96xi1>
    %ge3A_134 = vector.broadcast %broadcast_in_dim3A_130 : vector<320x1xf32> to vector<320x96xf32>
    %ge3A_135 = arith.cmpf oge, %div3A_122, %ge3A_134 : vector<320x96xf32>
    %and3A_136 = arith.andi %and3A_133, %ge3A_135 : vector<320x96xi1>
    %jit3A_137 = arith.constant 1.000000e+00 : f32
    %jit3A_138 = arith.constant 0.000000e+00 : f32
    %broadcast_in_dim3A_139 = vector.broadcast %jit3A_137 : f32 to vector<320x96xf32>
    %broadcast_in_dim3A_140 = vector.broadcast %jit3A_138 : f32 to vector<320x96xf32>
    %select_n3A_141 = arith.select %and3A_136, %broadcast_in_dim3A_139, %broadcast_in_dim3A_140 : vector<320x96xi1>, vector<320x96xf32>
    %reduce_sum3A_142 = arith.constant dense<0.000000e+00> : vector<320xf32>
    %reduce_sum3A_143 = vector.multi_reduction <add>, %select_n3A_141, %reduce_sum3A_142 [1] : vector<320x96xf32> to vector<320xf32>
    %broadcast_in_dim3A_144 = vector.shape_cast %reduce_sum3A_143 : vector<320xf32> to vector<320x1xf32>
    %ge3A_145 = arith.constant 9 : i32
    %ge3A_146 = vector.broadcast %ge3A_145 : i32 to vector<320x96xi32>
    %ge3A_147 = arith.cmpi sge, %sub3A_103, %ge3A_146 : vector<320x96xi32>
    %and3A_148 = arith.andi %eq3A, %ge3A_147 : vector<320x96xi1>
    %lt3A_149 = arith.constant 17 : i32
    %lt3A_150 = vector.broadcast %lt3A_149 : i32 to vector<320x96xi32>
    %lt3A_151 = arith.cmpi slt, %sub3A_103, %lt3A_150 : vector<320x96xi32>
    %and3A_152 = arith.andi %and3A_148, %lt3A_151 : vector<320x96xi1>
    %jit3A_153 = arith.constant 0xFF800000 : f32
    %broadcast_in_dim3A_154 = vector.broadcast %jit3A_153 : f32 to vector<320x96xf32>
    %select_n3A_155 = arith.select %and3A_152, %div3A_122, %broadcast_in_dim3A_154 : vector<320x96xi1>, vector<320x96xf32>
    %reduce_max3A_156 = arith.constant dense<0xFF800000> : vector<320xf32>
    %reduce_max3A_157 = vector.multi_reduction <maximumf>, %select_n3A_155, %reduce_max3A_156 [1] : vector<320x96xf32> to vector<320xf32>
    %broadcast_in_dim3A_158 = vector.shape_cast %reduce_max3A_157 : vector<320xf32> to vector<320x1xf32>
    %ge3A_159 = arith.constant 17 : i32
    %ge3A_160 = vector.broadcast %ge3A_159 : i32 to vector<320x96xi32>
    %ge3A_161 = arith.cmpi sge, %sub3A_103, %ge3A_160 : vector<320x96xi32>
    %and3A_162 = arith.andi %eq3A, %ge3A_161 : vector<320x96xi1>
    %jit3A_163 = arith.constant 0xFF800000 : f32
    %broadcast_in_dim3A_164 = vector.broadcast %jit3A_163 : f32 to vector<320x96xf32>
    %select_n3A_165 = arith.select %and3A_162, %div3A_122, %broadcast_in_dim3A_164 : vector<320x96xi1>, vector<320x96xf32>
    %reduce_max3A_166 = arith.constant dense<0xFF800000> : vector<320xf32>
    %reduce_max3A_167 = vector.multi_reduction <maximumf>, %select_n3A_165, %reduce_max3A_166 [1] : vector<320x96xf32> to vector<320xf32>
    %broadcast_in_dim3A_168 = vector.shape_cast %reduce_max3A_167 : vector<320xf32> to vector<320x1xf32>
    %gt3A = arith.cmpf ogt, %broadcast_in_dim3A_168, %broadcast_in_dim3A_158 : vector<320x1xf32>
    %jit3A_169 = arith.constant 1.000000e+00 : f32
    %jit3A_170 = arith.constant 0.000000e+00 : f32
    %broadcast_in_dim3A_171 = vector.broadcast %jit3A_169 : f32 to vector<320x1xf32>
    %broadcast_in_dim3A_172 = vector.broadcast %jit3A_170 : f32 to vector<320x1xf32>
    %select_n3A_173 = arith.select %gt3A, %broadcast_in_dim3A_171, %broadcast_in_dim3A_172 : vector<320x1xi1>, vector<320x1xf32>
    %add3A = arith.addf %broadcast_in_dim3A_144, %select_n3A_173 : vector<320x1xf32>
    %reshape3A_174 = vector.shape_cast %add3A : vector<320x1xf32> to vector<4x80xf32>
    %slice3A_175 = vector.extract_strided_slice %get3A_2 {offsets = [4, 0, 0], sizes = [4, 80, 768], strides = [1, 1, 1]} : vector<16x80x768xf32> to vector<4x80x768xf32>
    %reshape3A_176 = vector.shape_cast %slice3A_175 : vector<4x80x768xf32> to vector<320x768xf32>
    %slice3A_177 = vector.extract_strided_slice %concatenate3A {offsets = [4, 0, 0], sizes = [4, 24, 768], strides = [1, 1, 1]} : vector<16x24x768xf32> to vector<4x24x768xf32>
    %reshape3A_178 = vector.shape_cast %slice3A_177 : vector<4x24x768xf32> to vector<96x768xf32>
    %dot_general3A_179 = arith.constant dense<0.000000e+00> : vector<320x96xf32>
    %dot_general3A_180 = tpu.matmul %reshape3A_176, %reshape3A_178, %dot_general3A_179 {dimension_numbers = #tpu.dot_dimension_numbers<[1], [1], [0], [0], [0, 0, 1, 0], [], []>, precision = #tpu.contract_precision<fp32>, transpose_lhs_hint = false} : vector<320x768xf32>, vector<96x768xf32>, vector<320x96xf32> -> vector<320x96xf32>
    %mul3A_181 = arith.mulf %reshape3A_176, %reshape3A_176 : vector<320x768xf32>
    %reduce_sum3A_182 = arith.constant dense<0.000000e+00> : vector<320xf32>
    %reduce_sum3A_183 = vector.multi_reduction <add>, %mul3A_181, %reduce_sum3A_182 [1] : vector<320x768xf32> to vector<320xf32>
    %broadcast_in_dim3A_184 = vector.shape_cast %reduce_sum3A_183 : vector<320xf32> to vector<320x1xf32>
    %sqrt3A_185 = math.sqrt %broadcast_in_dim3A_184 : vector<320x1xf32>
    %max3A_186 = arith.constant 9.99999993E-9 : f32
    %max3A_187 = vector.broadcast %max3A_186 : f32 to vector<320x1xf32>
    %max3A_188 = arith.maximumf %sqrt3A_185, %max3A_187 : vector<320x1xf32>
    %mul3A_189 = arith.mulf %slice3A_177, %slice3A_177 : vector<4x24x768xf32>
    %reduce_sum3A_190 = arith.constant dense<0.000000e+00> : vector<4x24xf32>
    %reduce_sum3A_191 = vector.multi_reduction <add>, %mul3A_189, %reduce_sum3A_190 [2] : vector<4x24x768xf32> to vector<4x24xf32>
    %sqrt3A_192 = math.sqrt %reduce_sum3A_191 : vector<4x24xf32>
    %max3A_193 = arith.constant 9.99999993E-9 : f32
    %max3A_194 = vector.broadcast %max3A_193 : f32 to vector<4x24xf32>
    %max3A_195 = arith.maximumf %sqrt3A_192, %max3A_194 : vector<4x24xf32>
    %reshape3A_196 = vector.shape_cast %max3A_195 : vector<4x24xf32> to vector<1x96xf32>
    %mul3A_197 = vector.broadcast %max3A_188 : vector<320x1xf32> to vector<320x96xf32>
    %mul3A_198 = vector.broadcast %reshape3A_196 : vector<1x96xf32> to vector<320x96xf32>
    %mul3A_199 = arith.mulf %mul3A_197, %mul3A_198 : vector<320x96xf32>
    %div3A_200 = arith.divf %dot_general3A_180, %mul3A_199 : vector<320x96xf32>
    %ge3A_201 = arith.constant 9 : i32
    %ge3A_202 = vector.broadcast %ge3A_201 : i32 to vector<320x96xi32>
    %ge3A_203 = arith.cmpi sge, %sub3A_103, %ge3A_202 : vector<320x96xi32>
    %and3A_204 = arith.andi %eq3A, %ge3A_203 : vector<320x96xi1>
    %jit3A_205 = arith.constant 0xFF800000 : f32
    %broadcast_in_dim3A_206 = vector.broadcast %jit3A_205 : f32 to vector<320x96xf32>
    %select_n3A_207 = arith.select %and3A_204, %div3A_200, %broadcast_in_dim3A_206 : vector<320x96xi1>, vector<320x96xf32>
    %reduce_max3A_208 = arith.constant dense<0xFF800000> : vector<320xf32>
    %reduce_max3A_209 = vector.multi_reduction <maximumf>, %select_n3A_207, %reduce_max3A_208 [1] : vector<320x96xf32> to vector<320xf32>
    %broadcast_in_dim3A_210 = vector.shape_cast %reduce_max3A_209 : vector<320xf32> to vector<320x1xf32>
    %lt3A_211 = arith.constant 9 : i32
    %lt3A_212 = vector.broadcast %lt3A_211 : i32 to vector<320x96xi32>
    %lt3A_213 = arith.cmpi slt, %sub3A_103, %lt3A_212 : vector<320x96xi32>
    %and3A_214 = arith.andi %eq3A, %lt3A_213 : vector<320x96xi1>
    %ge3A_215 = vector.broadcast %broadcast_in_dim3A_210 : vector<320x1xf32> to vector<320x96xf32>
    %ge3A_216 = arith.cmpf oge, %div3A_200, %ge3A_215 : vector<320x96xf32>
    %and3A_217 = arith.andi %and3A_214, %ge3A_216 : vector<320x96xi1>
    %jit3A_218 = arith.constant 1.000000e+00 : f32
    %jit3A_219 = arith.constant 0.000000e+00 : f32
    %broadcast_in_dim3A_220 = vector.broadcast %jit3A_218 : f32 to vector<320x96xf32>
    %broadcast_in_dim3A_221 = vector.broadcast %jit3A_219 : f32 to vector<320x96xf32>
    %select_n3A_222 = arith.select %and3A_217, %broadcast_in_dim3A_220, %broadcast_in_dim3A_221 : vector<320x96xi1>, vector<320x96xf32>
    %reduce_sum3A_223 = arith.constant dense<0.000000e+00> : vector<320xf32>
    %reduce_sum3A_224 = vector.multi_reduction <add>, %select_n3A_222, %reduce_sum3A_223 [1] : vector<320x96xf32> to vector<320xf32>
    %broadcast_in_dim3A_225 = vector.shape_cast %reduce_sum3A_224 : vector<320xf32> to vector<320x1xf32>
    %ge3A_226 = arith.constant 9 : i32
    %ge3A_227 = vector.broadcast %ge3A_226 : i32 to vector<320x96xi32>
    %ge3A_228 = arith.cmpi sge, %sub3A_103, %ge3A_227 : vector<320x96xi32>
    %and3A_229 = arith.andi %eq3A, %ge3A_228 : vector<320x96xi1>
    %lt3A_230 = arith.constant 17 : i32
    %lt3A_231 = vector.broadcast %lt3A_230 : i32 to vector<320x96xi32>
    %lt3A_232 = arith.cmpi slt, %sub3A_103, %lt3A_231 : vector<320x96xi32>
    %and3A_233 = arith.andi %and3A_229, %lt3A_232 : vector<320x96xi1>
    %jit3A_234 = arith.constant 0xFF800000 : f32
    %broadcast_in_dim3A_235 = vector.broadcast %jit3A_234 : f32 to vector<320x96xf32>
    %select_n3A_236 = arith.select %and3A_233, %div3A_200, %broadcast_in_dim3A_235 : vector<320x96xi1>, vector<320x96xf32>
    %reduce_max3A_237 = arith.constant dense<0xFF800000> : vector<320xf32>
    %reduce_max3A_238 = vector.multi_reduction <maximumf>, %select_n3A_236, %reduce_max3A_237 [1] : vector<320x96xf32> to vector<320xf32>
    %broadcast_in_dim3A_239 = vector.shape_cast %reduce_max3A_238 : vector<320xf32> to vector<320x1xf32>
    %ge3A_240 = arith.constant 17 : i32
    %ge3A_241 = vector.broadcast %ge3A_240 : i32 to vector<320x96xi32>
    %ge3A_242 = arith.cmpi sge, %sub3A_103, %ge3A_241 : vector<320x96xi32>
    %and3A_243 = arith.andi %eq3A, %ge3A_242 : vector<320x96xi1>
    %jit3A_244 = arith.constant 0xFF800000 : f32
    %broadcast_in_dim3A_245 = vector.broadcast %jit3A_244 : f32 to vector<320x96xf32>
    %select_n3A_246 = arith.select %and3A_243, %div3A_200, %broadcast_in_dim3A_245 : vector<320x96xi1>, vector<320x96xf32>
    %reduce_max3A_247 = arith.constant dense<0xFF800000> : vector<320xf32>
    %reduce_max3A_248 = vector.multi_reduction <maximumf>, %select_n3A_246, %reduce_max3A_247 [1] : vector<320x96xf32> to vector<320xf32>
    %broadcast_in_dim3A_249 = vector.shape_cast %reduce_max3A_248 : vector<320xf32> to vector<320x1xf32>
    %gt3A_250 = arith.cmpf ogt, %broadcast_in_dim3A_249, %broadcast_in_dim3A_239 : vector<320x1xf32>
    %jit3A_251 = arith.constant 1.000000e+00 : f32
    %jit3A_252 = arith.constant 0.000000e+00 : f32
    %broadcast_in_dim3A_253 = vector.broadcast %jit3A_251 : f32 to vector<320x1xf32>
    %broadcast_in_dim3A_254 = vector.broadcast %jit3A_252 : f32 to vector<320x1xf32>
    %select_n3A_255 = arith.select %gt3A_250, %broadcast_in_dim3A_253, %broadcast_in_dim3A_254 : vector<320x1xi1>, vector<320x1xf32>
    %add3A_256 = arith.addf %broadcast_in_dim3A_225, %select_n3A_255 : vector<320x1xf32>
    %reshape3A_257 = vector.shape_cast %add3A_256 : vector<320x1xf32> to vector<4x80xf32>
    %slice3A_258 = vector.extract_strided_slice %get3A_2 {offsets = [8, 0, 0], sizes = [4, 80, 768], strides = [1, 1, 1]} : vector<16x80x768xf32> to vector<4x80x768xf32>
    %reshape3A_259 = vector.shape_cast %slice3A_258 : vector<4x80x768xf32> to vector<320x768xf32>
    %slice3A_260 = vector.extract_strided_slice %concatenate3A {offsets = [8, 0, 0], sizes = [4, 24, 768], strides = [1, 1, 1]} : vector<16x24x768xf32> to vector<4x24x768xf32>
    %reshape3A_261 = vector.shape_cast %slice3A_260 : vector<4x24x768xf32> to vector<96x768xf32>
    %dot_general3A_262 = arith.constant dense<0.000000e+00> : vector<320x96xf32>
    %dot_general3A_263 = tpu.matmul %reshape3A_259, %reshape3A_261, %dot_general3A_262 {dimension_numbers = #tpu.dot_dimension_numbers<[1], [1], [0], [0], [0, 0, 1, 0], [], []>, precision = #tpu.contract_precision<fp32>, transpose_lhs_hint = false} : vector<320x768xf32>, vector<96x768xf32>, vector<320x96xf32> -> vector<320x96xf32>
    %mul3A_264 = arith.mulf %reshape3A_259, %reshape3A_259 : vector<320x768xf32>
    %reduce_sum3A_265 = arith.constant dense<0.000000e+00> : vector<320xf32>
    %reduce_sum3A_266 = vector.multi_reduction <add>, %mul3A_264, %reduce_sum3A_265 [1] : vector<320x768xf32> to vector<320xf32>
    %broadcast_in_dim3A_267 = vector.shape_cast %reduce_sum3A_266 : vector<320xf32> to vector<320x1xf32>
    %sqrt3A_268 = math.sqrt %broadcast_in_dim3A_267 : vector<320x1xf32>
    %max3A_269 = arith.constant 9.99999993E-9 : f32
    %max3A_270 = vector.broadcast %max3A_269 : f32 to vector<320x1xf32>
    %max3A_271 = arith.maximumf %sqrt3A_268, %max3A_270 : vector<320x1xf32>
    %mul3A_272 = arith.mulf %slice3A_260, %slice3A_260 : vector<4x24x768xf32>
    %reduce_sum3A_273 = arith.constant dense<0.000000e+00> : vector<4x24xf32>
    %reduce_sum3A_274 = vector.multi_reduction <add>, %mul3A_272, %reduce_sum3A_273 [2] : vector<4x24x768xf32> to vector<4x24xf32>
    %sqrt3A_275 = math.sqrt %reduce_sum3A_274 : vector<4x24xf32>
    %max3A_276 = arith.constant 9.99999993E-9 : f32
    %max3A_277 = vector.broadcast %max3A_276 : f32 to vector<4x24xf32>
    %max3A_278 = arith.maximumf %sqrt3A_275, %max3A_277 : vector<4x24xf32>
    %reshape3A_279 = vector.shape_cast %max3A_278 : vector<4x24xf32> to vector<1x96xf32>
    %mul3A_280 = vector.broadcast %max3A_271 : vector<320x1xf32> to vector<320x96xf32>
    %mul3A_281 = vector.broadcast %reshape3A_279 : vector<1x96xf32> to vector<320x96xf32>
    %mul3A_282 = arith.mulf %mul3A_280, %mul3A_281 : vector<320x96xf32>
    %div3A_283 = arith.divf %dot_general3A_263, %mul3A_282 : vector<320x96xf32>
    %ge3A_284 = arith.constant 9 : i32
    %ge3A_285 = vector.broadcast %ge3A_284 : i32 to vector<320x96xi32>
    %ge3A_286 = arith.cmpi sge, %sub3A_103, %ge3A_285 : vector<320x96xi32>
    %and3A_287 = arith.andi %eq3A, %ge3A_286 : vector<320x96xi1>
    %jit3A_288 = arith.constant 0xFF800000 : f32
    %broadcast_in_dim3A_289 = vector.broadcast %jit3A_288 : f32 to vector<320x96xf32>
    %select_n3A_290 = arith.select %and3A_287, %div3A_283, %broadcast_in_dim3A_289 : vector<320x96xi1>, vector<320x96xf32>
    %reduce_max3A_291 = arith.constant dense<0xFF800000> : vector<320xf32>
    %reduce_max3A_292 = vector.multi_reduction <maximumf>, %select_n3A_290, %reduce_max3A_291 [1] : vector<320x96xf32> to vector<320xf32>
    %broadcast_in_dim3A_293 = vector.shape_cast %reduce_max3A_292 : vector<320xf32> to vector<320x1xf32>
    %lt3A_294 = arith.constant 9 : i32
    %lt3A_295 = vector.broadcast %lt3A_294 : i32 to vector<320x96xi32>
    %lt3A_296 = arith.cmpi slt, %sub3A_103, %lt3A_295 : vector<320x96xi32>
    %and3A_297 = arith.andi %eq3A, %lt3A_296 : vector<320x96xi1>
    %ge3A_298 = vector.broadcast %broadcast_in_dim3A_293 : vector<320x1xf32> to vector<320x96xf32>
    %ge3A_299 = arith.cmpf oge, %div3A_283, %ge3A_298 : vector<320x96xf32>
    %and3A_300 = arith.andi %and3A_297, %ge3A_299 : vector<320x96xi1>
    %jit3A_301 = arith.constant 1.000000e+00 : f32
    %jit3A_302 = arith.constant 0.000000e+00 : f32
    %broadcast_in_dim3A_303 = vector.broadcast %jit3A_301 : f32 to vector<320x96xf32>
    %broadcast_in_dim3A_304 = vector.broadcast %jit3A_302 : f32 to vector<320x96xf32>
    %select_n3A_305 = arith.select %and3A_300, %broadcast_in_dim3A_303, %broadcast_in_dim3A_304 : vector<320x96xi1>, vector<320x96xf32>
    %reduce_sum3A_306 = arith.constant dense<0.000000e+00> : vector<320xf32>
    %reduce_sum3A_307 = vector.multi_reduction <add>, %select_n3A_305, %reduce_sum3A_306 [1] : vector<320x96xf32> to vector<320xf32>
    %broadcast_in_dim3A_308 = vector.shape_cast %reduce_sum3A_307 : vector<320xf32> to vector<320x1xf32>
    %ge3A_309 = arith.constant 9 : i32
    %ge3A_310 = vector.broadcast %ge3A_309 : i32 to vector<320x96xi32>
    %ge3A_311 = arith.cmpi sge, %sub3A_103, %ge3A_310 : vector<320x96xi32>
    %and3A_312 = arith.andi %eq3A, %ge3A_311 : vector<320x96xi1>
    %lt3A_313 = arith.constant 17 : i32
    %lt3A_314 = vector.broadcast %lt3A_313 : i32 to vector<320x96xi32>
    %lt3A_315 = arith.cmpi slt, %sub3A_103, %lt3A_314 : vector<320x96xi32>
    %and3A_316 = arith.andi %and3A_312, %lt3A_315 : vector<320x96xi1>
    %jit3A_317 = arith.constant 0xFF800000 : f32
    %broadcast_in_dim3A_318 = vector.broadcast %jit3A_317 : f32 to vector<320x96xf32>
    %select_n3A_319 = arith.select %and3A_316, %div3A_283, %broadcast_in_dim3A_318 : vector<320x96xi1>, vector<320x96xf32>
    %reduce_max3A_320 = arith.constant dense<0xFF800000> : vector<320xf32>
    %reduce_max3A_321 = vector.multi_reduction <maximumf>, %select_n3A_319, %reduce_max3A_320 [1] : vector<320x96xf32> to vector<320xf32>
    %broadcast_in_dim3A_322 = vector.shape_cast %reduce_max3A_321 : vector<320xf32> to vector<320x1xf32>
    %ge3A_323 = arith.constant 17 : i32
    %ge3A_324 = vector.broadcast %ge3A_323 : i32 to vector<320x96xi32>
    %ge3A_325 = arith.cmpi sge, %sub3A_103, %ge3A_324 : vector<320x96xi32>
    %and3A_326 = arith.andi %eq3A, %ge3A_325 : vector<320x96xi1>
    %jit3A_327 = arith.constant 0xFF800000 : f32
    %broadcast_in_dim3A_328 = vector.broadcast %jit3A_327 : f32 to vector<320x96xf32>
    %select_n3A_329 = arith.select %and3A_326, %div3A_283, %broadcast_in_dim3A_328 : vector<320x96xi1>, vector<320x96xf32>
    %reduce_max3A_330 = arith.constant dense<0xFF800000> : vector<320xf32>
    %reduce_max3A_331 = vector.multi_reduction <maximumf>, %select_n3A_329, %reduce_max3A_330 [1] : vector<320x96xf32> to vector<320xf32>
    %broadcast_in_dim3A_332 = vector.shape_cast %reduce_max3A_331 : vector<320xf32> to vector<320x1xf32>
    %gt3A_333 = arith.cmpf ogt, %broadcast_in_dim3A_332, %broadcast_in_dim3A_322 : vector<320x1xf32>
    %jit3A_334 = arith.constant 1.000000e+00 : f32
    %jit3A_335 = arith.constant 0.000000e+00 : f32
    %broadcast_in_dim3A_336 = vector.broadcast %jit3A_334 : f32 to vector<320x1xf32>
    %broadcast_in_dim3A_337 = vector.broadcast %jit3A_335 : f32 to vector<320x1xf32>
    %select_n3A_338 = arith.select %gt3A_333, %broadcast_in_dim3A_336, %broadcast_in_dim3A_337 : vector<320x1xi1>, vector<320x1xf32>
    %add3A_339 = arith.addf %broadcast_in_dim3A_308, %select_n3A_338 : vector<320x1xf32>
    %reshape3A_340 = vector.shape_cast %add3A_339 : vector<320x1xf32> to vector<4x80xf32>
    %slice3A_341 = vector.extract_strided_slice %get3A_2 {offsets = [12, 0, 0], sizes = [4, 80, 768], strides = [1, 1, 1]} : vector<16x80x768xf32> to vector<4x80x768xf32>
    %reshape3A_342 = vector.shape_cast %slice3A_341 : vector<4x80x768xf32> to vector<320x768xf32>
    %slice3A_343 = vector.extract_strided_slice %concatenate3A {offsets = [12, 0, 0], sizes = [4, 24, 768], strides = [1, 1, 1]} : vector<16x24x768xf32> to vector<4x24x768xf32>
    %reshape3A_344 = vector.shape_cast %slice3A_343 : vector<4x24x768xf32> to vector<96x768xf32>
    %dot_general3A_345 = arith.constant dense<0.000000e+00> : vector<320x96xf32>
    %dot_general3A_346 = tpu.matmul %reshape3A_342, %reshape3A_344, %dot_general3A_345 {dimension_numbers = #tpu.dot_dimension_numbers<[1], [1], [0], [0], [0, 0, 1, 0], [], []>, precision = #tpu.contract_precision<fp32>, transpose_lhs_hint = false} : vector<320x768xf32>, vector<96x768xf32>, vector<320x96xf32> -> vector<320x96xf32>
    %mul3A_347 = arith.mulf %reshape3A_342, %reshape3A_342 : vector<320x768xf32>
    %reduce_sum3A_348 = arith.constant dense<0.000000e+00> : vector<320xf32>
    %reduce_sum3A_349 = vector.multi_reduction <add>, %mul3A_347, %reduce_sum3A_348 [1] : vector<320x768xf32> to vector<320xf32>
    %broadcast_in_dim3A_350 = vector.shape_cast %reduce_sum3A_349 : vector<320xf32> to vector<320x1xf32>
    %sqrt3A_351 = math.sqrt %broadcast_in_dim3A_350 : vector<320x1xf32>
    %max3A_352 = arith.constant 9.99999993E-9 : f32
    %max3A_353 = vector.broadcast %max3A_352 : f32 to vector<320x1xf32>
    %max3A_354 = arith.maximumf %sqrt3A_351, %max3A_353 : vector<320x1xf32>
    %mul3A_355 = arith.mulf %slice3A_343, %slice3A_343 : vector<4x24x768xf32>
    %reduce_sum3A_356 = arith.constant dense<0.000000e+00> : vector<4x24xf32>
    %reduce_sum3A_357 = vector.multi_reduction <add>, %mul3A_355, %reduce_sum3A_356 [2] : vector<4x24x768xf32> to vector<4x24xf32>
    %sqrt3A_358 = math.sqrt %reduce_sum3A_357 : vector<4x24xf32>
    %max3A_359 = arith.constant 9.99999993E-9 : f32
    %max3A_360 = vector.broadcast %max3A_359 : f32 to vector<4x24xf32>
    %max3A_361 = arith.maximumf %sqrt3A_358, %max3A_360 : vector<4x24xf32>
    %reshape3A_362 = vector.shape_cast %max3A_361 : vector<4x24xf32> to vector<1x96xf32>
    %mul3A_363 = vector.broadcast %max3A_354 : vector<320x1xf32> to vector<320x96xf32>
    %mul3A_364 = vector.broadcast %reshape3A_362 : vector<1x96xf32> to vector<320x96xf32>
    %mul3A_365 = arith.mulf %mul3A_363, %mul3A_364 : vector<320x96xf32>
    %div3A_366 = arith.divf %dot_general3A_346, %mul3A_365 : vector<320x96xf32>
    %ge3A_367 = arith.constant 9 : i32
    %ge3A_368 = vector.broadcast %ge3A_367 : i32 to vector<320x96xi32>
    %ge3A_369 = arith.cmpi sge, %sub3A_103, %ge3A_368 : vector<320x96xi32>
    %and3A_370 = arith.andi %eq3A, %ge3A_369 : vector<320x96xi1>
    %jit3A_371 = arith.constant 0xFF800000 : f32
    %broadcast_in_dim3A_372 = vector.broadcast %jit3A_371 : f32 to vector<320x96xf32>
    %select_n3A_373 = arith.select %and3A_370, %div3A_366, %broadcast_in_dim3A_372 : vector<320x96xi1>, vector<320x96xf32>
    %reduce_max3A_374 = arith.constant dense<0xFF800000> : vector<320xf32>
    %reduce_max3A_375 = vector.multi_reduction <maximumf>, %select_n3A_373, %reduce_max3A_374 [1] : vector<320x96xf32> to vector<320xf32>
    %broadcast_in_dim3A_376 = vector.shape_cast %reduce_max3A_375 : vector<320xf32> to vector<320x1xf32>
    %lt3A_377 = arith.constant 9 : i32
    %lt3A_378 = vector.broadcast %lt3A_377 : i32 to vector<320x96xi32>
    %lt3A_379 = arith.cmpi slt, %sub3A_103, %lt3A_378 : vector<320x96xi32>
    %and3A_380 = arith.andi %eq3A, %lt3A_379 : vector<320x96xi1>
    %ge3A_381 = vector.broadcast %broadcast_in_dim3A_376 : vector<320x1xf32> to vector<320x96xf32>
    %ge3A_382 = arith.cmpf oge, %div3A_366, %ge3A_381 : vector<320x96xf32>
    %and3A_383 = arith.andi %and3A_380, %ge3A_382 : vector<320x96xi1>
    %jit3A_384 = arith.constant 1.000000e+00 : f32
    %jit3A_385 = arith.constant 0.000000e+00 : f32
    %broadcast_in_dim3A_386 = vector.broadcast %jit3A_384 : f32 to vector<320x96xf32>
    %broadcast_in_dim3A_387 = vector.broadcast %jit3A_385 : f32 to vector<320x96xf32>
    %select_n3A_388 = arith.select %and3A_383, %broadcast_in_dim3A_386, %broadcast_in_dim3A_387 : vector<320x96xi1>, vector<320x96xf32>
    %reduce_sum3A_389 = arith.constant dense<0.000000e+00> : vector<320xf32>
    %reduce_sum3A_390 = vector.multi_reduction <add>, %select_n3A_388, %reduce_sum3A_389 [1] : vector<320x96xf32> to vector<320xf32>
    %broadcast_in_dim3A_391 = vector.shape_cast %reduce_sum3A_390 : vector<320xf32> to vector<320x1xf32>
    %ge3A_392 = arith.constant 9 : i32
    %ge3A_393 = vector.broadcast %ge3A_392 : i32 to vector<320x96xi32>
    %ge3A_394 = arith.cmpi sge, %sub3A_103, %ge3A_393 : vector<320x96xi32>
    %and3A_395 = arith.andi %eq3A, %ge3A_394 : vector<320x96xi1>
    %lt3A_396 = arith.constant 17 : i32
    %lt3A_397 = vector.broadcast %lt3A_396 : i32 to vector<320x96xi32>
    %lt3A_398 = arith.cmpi slt, %sub3A_103, %lt3A_397 : vector<320x96xi32>
    %and3A_399 = arith.andi %and3A_395, %lt3A_398 : vector<320x96xi1>
    %jit3A_400 = arith.constant 0xFF800000 : f32
    %broadcast_in_dim3A_401 = vector.broadcast %jit3A_400 : f32 to vector<320x96xf32>
    %select_n3A_402 = arith.select %and3A_399, %div3A_366, %broadcast_in_dim3A_401 : vector<320x96xi1>, vector<320x96xf32>
    %reduce_max3A_403 = arith.constant dense<0xFF800000> : vector<320xf32>
    %reduce_max3A_404 = vector.multi_reduction <maximumf>, %select_n3A_402, %reduce_max3A_403 [1] : vector<320x96xf32> to vector<320xf32>
    %broadcast_in_dim3A_405 = vector.shape_cast %reduce_max3A_404 : vector<320xf32> to vector<320x1xf32>
    %ge3A_406 = arith.constant 17 : i32
    %ge3A_407 = vector.broadcast %ge3A_406 : i32 to vector<320x96xi32>
    %ge3A_408 = arith.cmpi sge, %sub3A_103, %ge3A_407 : vector<320x96xi32>
    %and3A_409 = arith.andi %eq3A, %ge3A_408 : vector<320x96xi1>
    %jit3A_410 = arith.constant 0xFF800000 : f32
    %broadcast_in_dim3A_411 = vector.broadcast %jit3A_410 : f32 to vector<320x96xf32>
    %select_n3A_412 = arith.select %and3A_409, %div3A_366, %broadcast_in_dim3A_411 : vector<320x96xi1>, vector<320x96xf32>
    %reduce_max3A_413 = arith.constant dense<0xFF800000> : vector<320xf32>
    %reduce_max3A_414 = vector.multi_reduction <maximumf>, %select_n3A_412, %reduce_max3A_413 [1] : vector<320x96xf32> to vector<320xf32>
    %broadcast_in_dim3A_415 = vector.shape_cast %reduce_max3A_414 : vector<320xf32> to vector<320x1xf32>
    %gt3A_416 = arith.cmpf ogt, %broadcast_in_dim3A_415, %broadcast_in_dim3A_405 : vector<320x1xf32>
    %jit3A_417 = arith.constant 1.000000e+00 : f32
    %jit3A_418 = arith.constant 0.000000e+00 : f32
    %broadcast_in_dim3A_419 = vector.broadcast %jit3A_417 : f32 to vector<320x1xf32>
    %broadcast_in_dim3A_420 = vector.broadcast %jit3A_418 : f32 to vector<320x1xf32>
    %select_n3A_421 = arith.select %gt3A_416, %broadcast_in_dim3A_419, %broadcast_in_dim3A_420 : vector<320x1xi1>, vector<320x1xf32>
    %add3A_422 = arith.addf %broadcast_in_dim3A_391, %select_n3A_421 : vector<320x1xf32>
    %reshape3A_423 = vector.shape_cast %add3A_422 : vector<320x1xf32> to vector<4x80xf32>
    %concatenate3A_424 = tpu.concatenate %reshape3A_174, %reshape3A_257, %reshape3A_340, %reshape3A_423 in 0 : vector<4x80xf32>, vector<4x80xf32>, vector<4x80xf32>, vector<4x80xf32> -> vector<16x80xf32>
    %iota3A_425 = tpu.iota {dimensions = array<i32: 1>} : vector<16x80xi32>
    %convert_element_type3A = arith.sitofp %iota3A_425 : vector<16x80xi32> to vector<16x80xf32>
    %mul3A_426 = arith.constant 1.280000e+02 : f32
    %mul3A_427 = vector.broadcast %mul3A_426 : f32 to vector<16x80xf32>
    %mul3A_428 = arith.mulf %concatenate3A_424, %mul3A_427 : vector<16x80xf32>
    %sub3A_429 = arith.constant 1.270000e+02 : f32
    %sub3A_430 = vector.broadcast %sub3A_429 : f32 to vector<16x80xf32>
    %sub3A_431 = arith.subf %sub3A_430, %convert_element_type3A : vector<16x80xf32>
    %add3A_432 = arith.addf %mul3A_428, %sub3A_431 : vector<16x80xf32>
    %sub3A_433 = arith.constant 1.000000e+01 : f32
    %sub3A_434 = vector.broadcast %sub3A_433 : f32 to vector<16x80xf32>
    %sub3A_435 = arith.subf %sub3A_434, %concatenate3A_424 : vector<16x80xf32>
    %mul3A_436 = arith.constant 1.280000e+02 : f32
    %mul3A_437 = vector.broadcast %mul3A_436 : f32 to vector<16x80xf32>
    %mul3A_438 = arith.mulf %sub3A_435, %mul3A_437 : vector<16x80xf32>
    %sub3A_439 = arith.constant 1.270000e+02 : f32
    %sub3A_440 = vector.broadcast %sub3A_439 : f32 to vector<16x80xf32>
    %sub3A_441 = arith.subf %sub3A_440, %convert_element_type3A : vector<16x80xf32>
    %add3A_442 = arith.addf %mul3A_438, %sub3A_441 : vector<16x80xf32>
    %broadcast_in_dim3A_443 = vector.shape_cast %add3A_432 : vector<16x80xf32> to vector<16x1x80xf32>
    %broadcast_in_dim3A_444 = vector.shape_cast %add3A_432 : vector<16x80xf32> to vector<16x80x1xf32>
    %gt3A_445 = vector.broadcast %broadcast_in_dim3A_443 : vector<16x1x80xf32> to vector<16x80x80xf32>
    %gt3A_446 = vector.broadcast %broadcast_in_dim3A_444 : vector<16x80x1xf32> to vector<16x80x80xf32>
    %gt3A_447 = arith.cmpf ogt, %gt3A_445, %gt3A_446 : vector<16x80x80xf32>
    %convert_element_type3A_448 = arith.extui %gt3A_447 : vector<16x80x80xi1> to vector<16x80x80xi32>
    %convert_element_type3A_449 = arith.sitofp %convert_element_type3A_448 : vector<16x80x80xi32> to vector<16x80x80xf32>
    %reduce_sum3A_450 = arith.constant dense<0.000000e+00> : vector<16x80xf32>
    %reduce_sum3A_451 = vector.multi_reduction <add>, %convert_element_type3A_449, %reduce_sum3A_450 [2] : vector<16x80x80xf32> to vector<16x80xf32>
    %broadcast_in_dim3A_452 = vector.shape_cast %add3A_442 : vector<16x80xf32> to vector<16x1x80xf32>
    %broadcast_in_dim3A_453 = vector.shape_cast %add3A_442 : vector<16x80xf32> to vector<16x80x1xf32>
    %gt3A_454 = vector.broadcast %broadcast_in_dim3A_452 : vector<16x1x80xf32> to vector<16x80x80xf32>
    %gt3A_455 = vector.broadcast %broadcast_in_dim3A_453 : vector<16x80x1xf32> to vector<16x80x80xf32>
    %gt3A_456 = arith.cmpf ogt, %gt3A_454, %gt3A_455 : vector<16x80x80xf32>
    %convert_element_type3A_457 = arith.extui %gt3A_456 : vector<16x80x80xi1> to vector<16x80x80xi32>
    %convert_element_type3A_458 = arith.sitofp %convert_element_type3A_457 : vector<16x80x80xi32> to vector<16x80x80xf32>
    %reduce_sum3A_459 = arith.constant dense<0.000000e+00> : vector<16x80xf32>
    %reduce_sum3A_460 = vector.multi_reduction <add>, %convert_element_type3A_458, %reduce_sum3A_459 [2] : vector<16x80x80xf32> to vector<16x80xf32>
    %lt3A_461 = arith.constant 1.000000e+00 : f32
    %lt3A_462 = vector.broadcast %lt3A_461 : f32 to vector<16x80xf32>
    %lt3A_463 = arith.cmpf olt, %reduce_sum3A_451, %lt3A_462 : vector<16x80xf32>
    %jit3A_464 = arith.constant 1.000000e+00 : f32
    %jit3A_465 = arith.constant 0.000000e+00 : f32
    %broadcast_in_dim3A_466 = vector.broadcast %jit3A_464 : f32 to vector<16x80xf32>
    %broadcast_in_dim3A_467 = vector.broadcast %jit3A_465 : f32 to vector<16x80xf32>
    %select_n3A_468 = arith.select %lt3A_463, %broadcast_in_dim3A_466, %broadcast_in_dim3A_467 : vector<16x80xi1>, vector<16x80xf32>
    %lt3A_469 = arith.constant 4.000000e+01 : f32
    %lt3A_470 = vector.broadcast %lt3A_469 : f32 to vector<16x80xf32>
    %lt3A_471 = arith.cmpf olt, %reduce_sum3A_451, %lt3A_470 : vector<16x80xf32>
    %jit3A_472 = arith.constant 1.000000e+00 : f32
    %jit3A_473 = arith.constant 0.000000e+00 : f32
    %broadcast_in_dim3A_474 = vector.broadcast %jit3A_472 : f32 to vector<16x80xf32>
    %broadcast_in_dim3A_475 = vector.broadcast %jit3A_473 : f32 to vector<16x80xf32>
    %select_n3A_476 = arith.select %lt3A_471, %broadcast_in_dim3A_474, %broadcast_in_dim3A_475 : vector<16x80xi1>, vector<16x80xf32>
    %lt3A_477 = arith.constant 4.000000e+01 : f32
    %lt3A_478 = vector.broadcast %lt3A_477 : f32 to vector<16x80xf32>
    %lt3A_479 = arith.cmpf olt, %reduce_sum3A_460, %lt3A_478 : vector<16x80xf32>
    %jit3A_480 = arith.constant 1.000000e+00 : f32
    %jit3A_481 = arith.constant 0.000000e+00 : f32
    %broadcast_in_dim3A_482 = vector.broadcast %jit3A_480 : f32 to vector<16x80xf32>
    %broadcast_in_dim3A_483 = vector.broadcast %jit3A_481 : f32 to vector<16x80xf32>
    %select_n3A_484 = arith.select %lt3A_479, %broadcast_in_dim3A_482, %broadcast_in_dim3A_483 : vector<16x80xi1>, vector<16x80xf32>
    %broadcast_in_dim3A_485 = vector.shape_cast %select_n3A_468 : vector<16x80xf32> to vector<16x80x1xf32>
    %mul3A_486 = vector.broadcast %broadcast_in_dim3A_485 : vector<16x80x1xf32> to vector<16x80x768xf32>
    %mul3A_487 = arith.mulf %get3A_2, %mul3A_486 : vector<16x80x768xf32>
    %reduce_sum3A_488 = arith.constant dense<0.000000e+00> : vector<16x768xf32>
    %reduce_sum3A_489 = vector.multi_reduction <add>, %mul3A_487, %reduce_sum3A_488 [1] : vector<16x80x768xf32> to vector<16x768xf32>
    %swap3A = arith.constant 0 : index
    %swap3A_490 = arith.constant 0 : index
    %swap3A_491 = vector.load %arg5[%swap3A, %swap3A_490] : memref<16x768xf32, #tpu.memory_space<vmem>>, vector<16x768xf32>
    tpu.vector_store %arg5[%swap3A, %swap3A_490], %reduce_sum3A_489 {strides = array<i32>} : memref<16x768xf32, #tpu.memory_space<vmem>>, vector<16x768xf32>,
    %broadcast_in_dim3A_492 = vector.shape_cast %select_n3A_476 : vector<16x80xf32> to vector<16x80x1xf32>
    %mul3A_493 = vector.broadcast %broadcast_in_dim3A_492 : vector<16x80x1xf32> to vector<16x80x768xf32>
    %mul3A_494 = arith.mulf %get3A_2, %mul3A_493 : vector<16x80x768xf32>
    %reduce_sum3A_495 = arith.constant dense<0.000000e+00> : vector<16x768xf32>
    %reduce_sum3A_496 = vector.multi_reduction <add>, %mul3A_494, %reduce_sum3A_495 [1] : vector<16x80x768xf32> to vector<16x768xf32>
    %mul3A_497 = arith.constant 2.500000e-02 : f32
    %mul3A_498 = vector.broadcast %mul3A_497 : f32 to vector<16x768xf32>
    %mul3A_499 = arith.mulf %reduce_sum3A_496, %mul3A_498 : vector<16x768xf32>
    %mul3A_500 = arith.mulf %mul3A_499, %mul3A_499 : vector<16x768xf32>
    %reduce_sum3A_501 = arith.constant dense<0.000000e+00> : vector<16xf32>
    %reduce_sum3A_502 = vector.multi_reduction <add>, %mul3A_500, %reduce_sum3A_501 [1] : vector<16x768xf32> to vector<16xf32>
    %broadcast_in_dim3A_503 = vector.shape_cast %reduce_sum3A_502 : vector<16xf32> to vector<16x1xf32>
    %sqrt3A_504 = math.sqrt %broadcast_in_dim3A_503 : vector<16x1xf32>
    %max3A_505 = arith.constant 9.99999996E-13 : f32
    %max3A_506 = vector.broadcast %max3A_505 : f32 to vector<16x1xf32>
    %max3A_507 = arith.maximumf %sqrt3A_504, %max3A_506 : vector<16x1xf32>
    %div3A_508 = vector.broadcast %max3A_507 : vector<16x1xf32> to vector<16x768xf32>
    %div3A_509 = arith.divf %mul3A_499, %div3A_508 : vector<16x768xf32>
    %swap3A_510 = arith.constant 0 : index
    %swap3A_511 = arith.constant 0 : index
    %swap3A_512 = vector.load %arg6[%swap3A_510, %swap3A_511] : memref<16x768xf32, #tpu.memory_space<vmem>>, vector<16x768xf32>
    tpu.vector_store %arg6[%swap3A_510, %swap3A_511], %div3A_509 {strides = array<i32>} : memref<16x768xf32, #tpu.memory_space<vmem>>, vector<16x768xf32>,
    %broadcast_in_dim3A_513 = vector.shape_cast %select_n3A_484 : vector<16x80xf32> to vector<16x80x1xf32>
    %mul3A_514 = vector.broadcast %broadcast_in_dim3A_513 : vector<16x80x1xf32> to vector<16x80x768xf32>
    %mul3A_515 = arith.mulf %get3A_2, %mul3A_514 : vector<16x80x768xf32>
    %reduce_sum3A_516 = arith.constant dense<0.000000e+00> : vector<16x768xf32>
    %reduce_sum3A_517 = vector.multi_reduction <add>, %mul3A_515, %reduce_sum3A_516 [1] : vector<16x80x768xf32> to vector<16x768xf32>
    %mul3A_518 = arith.constant 2.500000e-02 : f32
    %mul3A_519 = vector.broadcast %mul3A_518 : f32 to vector<16x768xf32>
    %mul3A_520 = arith.mulf %reduce_sum3A_517, %mul3A_519 : vector<16x768xf32>
    %mul3A_521 = arith.mulf %mul3A_520, %mul3A_520 : vector<16x768xf32>
    %reduce_sum3A_522 = arith.constant dense<0.000000e+00> : vector<16xf32>
    %reduce_sum3A_523 = vector.multi_reduction <add>, %mul3A_521, %reduce_sum3A_522 [1] : vector<16x768xf32> to vector<16xf32>
    %broadcast_in_dim3A_524 = vector.shape_cast %reduce_sum3A_523 : vector<16xf32> to vector<16x1xf32>
    %sqrt3A_525 = math.sqrt %broadcast_in_dim3A_524 : vector<16x1xf32>
    %max3A_526 = arith.constant 9.99999996E-13 : f32
    %max3A_527 = vector.broadcast %max3A_526 : f32 to vector<16x1xf32>
    %max3A_528 = arith.maximumf %sqrt3A_525, %max3A_527 : vector<16x1xf32>
    %div3A_529 = vector.broadcast %max3A_528 : vector<16x1xf32> to vector<16x768xf32>
    %div3A_530 = arith.divf %mul3A_520, %div3A_529 : vector<16x768xf32>
    %swap3A_531 = arith.constant 0 : index
    %swap3A_532 = arith.constant 0 : index
    %swap3A_533 = vector.load %arg7[%swap3A_531, %swap3A_532] : memref<16x768xf32, #tpu.memory_space<vmem>>, vector<16x768xf32>
    tpu.vector_store %arg7[%swap3A_531, %swap3A_532], %div3A_530 {strides = array<i32>} : memref<16x768xf32, #tpu.memory_space<vmem>>, vector<16x768xf32>,
    return
  }
  func.func @transform_0(%arg0: i32) -> (i32, i32, i32) {
    %c0_i32 = arith.constant 0 : i32
    %c0_i32_0 = arith.constant 0 : i32
    %c0_i32_1 = arith.constant 0 : i32
    return %arg0, %c0_i32, %c0_i32_0 : i32, i32, i32
  }
  func.func @transform_1(%arg0: i32) -> (i32, i32, i32) {
    %c0_i32 = arith.constant 0 : i32
    %c0_i32_0 = arith.constant 0 : i32
    %c0_i32_1 = arith.constant 0 : i32
    return %arg0, %c0_i32, %c0_i32_0 : i32, i32, i32
  }
  func.func @transform_2(%arg0: i32) -> (i32, i32, i32) {
    %c0_i32 = arith.constant 0 : i32
    %c0_i32_0 = arith.constant 0 : i32
    %c0_i32_1 = arith.constant 0 : i32
    return %arg0, %c0_i32, %c0_i32_0 : i32, i32, i32
  }
  func.func @transform_3(%arg0: i32) -> (i32, i32, i32) {
    %c0_i32 = arith.constant 0 : i32
    %c0_i32_0 = arith.constant 0 : i32
    %c0_i32_1 = arith.constant 0 : i32
    return %arg0, %c0_i32, %c0_i32_0 : i32, i32, i32
  }
  func.func @transform_4(%arg0: i32) -> (i32, i32) {
    %c0_i32 = arith.constant 0 : i32
    %c0_i32_0 = arith.constant 0 : i32
    return %arg0, %c0_i32 : i32, i32
  }
  func.func @transform_5(%arg0: i32) -> (i32, i32) {
    %c0_i32 = arith.constant 0 : i32
    %c0_i32_0 = arith.constant 0 : i32
    return %arg0, %c0_i32 : i32, i32
  }
  func.func @transform_6(%arg0: i32) -> (i32, i32) {
    %c0_i32 = arith.constant 0 : i32
    %c0_i32_0 = arith.constant 0 : i32
    return %arg0, %c0_i32 : i32, i32
  }
}

</mosaic_0001>

<sc_bundles>
// kernel: kernel.12.cloned.1.call-start
scs
__scs_entry_jumppad:
0x0: {  	(pc) =	sbr.rel $0x88, $3  }
0x1: {  	(tag) =	ssettag $0x0;
	lr =	simm.s32 $0x1  }
0x2: {  	[smem:$0x3F95] =	sst lr;
	_ =	strace $0xD0000000  }
0x3: {  	_ = 	snop  }
0x4: {  	_ = 	snop  }
0x5: {  	_ = 	snop  }
0x6: {  	_ = 	snop  }
0x7: {  	_ = 	snop  }
__scs_overlays_trampoline_lowered:
0x8: {  	[smem:$0x3FA4] =	sst s0  }
0x9: {  	[smem:$0x3FA5] =	sst s1  }
0xa: {  	[smem:$0x3FA6] =	sst s2  }
0xb: {  	[smem:$0x3FA7] =	sst s3  }
0xc: {  	[smem:$0x3FA8] =	sst s4  }
0xd: {  	[smem:$0x3FA9] =	sst s5  }
0xe: {  	[smem:$0x3FAA] =	sst s6  }
0xf: {  	[smem:$0x3FAB] =	sst s7  }
0x10: {  	[smem:$0x3FAC] =	sst s8  }
0x11: {  	[smem:$0x3FAD] =	sst s9;
	s0 =	simm.s32 @!p0 $0x0  }
0x12: {  	s1 =	sld [smem:$0x3F93];
	s0 =	simm.s32 @p0 $0x1  }
0x13: {  	[smem:$0x3FAE] =	sst s0;
	s0 =	simm.s32 @!p1 $0x0  }
0x14: {  	s2 =	sld [smem:$0x3F92];
	s0 =	simm.s32 @p1 $0x1  }
0x15: {  	[smem:$0x3FAF] =	sst s0;
	s0 =	simm.s32 @!p2 $0x0  }
0x16: {  	s3 =	sld [smem:$0x3FDB];
	s0 =	simm.s32 @p2 $0x1  }
0x17: {  	s4 =	simm.s32 $0x1BF5;
	[smem:$0x3FB1] =	sst s0  }
0x18: {  	s0 =	sld [smem:$0x3F94];
	_ =	swait.ge [sflag:s4], $0x0  }
0x19: {  	s7 =	sld [smem:$0x3F95]  }
0x1a: {  	s8 =	sadd.s32 $0xFFFFE003, lr  }
0x1b: {  	s9 =	sadd.s32 $0xFFFFFEF7, lr;
	s5 =	simm.s32 $0xFFFFFFFF;
	p2 =	slt.u32 s8, $0xFFFFF086  }
0x1c: {  	p1 =	slt.u32 s9, $0xF7A;
	s5 =	simm.s32 @!p2 $0x0  }
0x1d: {  	s5 =	simm.s32 @p1 $0x1;
	p0 =	seq.s32 s7, s2  }
0x1e: {  	s7 =	smul.u32 @!p0 $0xF7A, s2;
	p2 =	seq.s32 @!p0 s5, $0x0  }
0x1f: {  	s9 =	smul.u32 $0xF7A, s1;
	s8 =	simm.s32 @!p0 $0x1BF5;
	p2 =	por !p2, p0  }
0x20: {  	[sflag:s8] =	ssyncset.s32 @!p0 $0xFFFFF086;
	s6 =	sadd.s32 @!p0 s3, s7;
	s7 =	simm.s32 @!p0 $0x108  }
0x21: {  	s3 =	sadd.s32 s3, s9;
	s6 =	sadd.s32 @!p0 $0x88, s6;
	s7 =	simm.s32 @p2 $0x1082  }
0x22: {  	[simem:s7], [sflag:s8] =	dma.local @!p0 [hbm:s6], $0xF7A  }
0x23: {  	s9 =	sor.u32 $0xD0000000, s2;
	s6 =	simm.s32 $0x108;
	_ =	swait.ge @!p0 [sflag:s8], $0x0  }
0x24: {  	s3 =	sadd.s32 $0x88, s3;
	s6 =	simm.s32 @!p1 $0x1082;
	[sflag:s4] =	ssyncset.s32 $0xFFFFF086  }
0x25: {  	[simem:s6], [sflag:s4] =	dma.local [hbm:s3], $0xF7A  }
0x26: {  	[smem:$0x3F95] =	sst s1;
	(tag) =	ssettag s2;
	_ =	strace s9  }
0x27: {  	s1 =	sld [smem:$0x3FA5]  }
0x28: {  	s2 =	sld [smem:$0x3FA6]  }
0x29: {  	s4 =	sld [smem:$0x3FA8]  }
0x2a: {  	p0 =	seq.s32 s5, $0x0;
	s5 =	sld [smem:$0x3FA9]  }
0x2b: {  	s6 =	sld [smem:$0x3FAA]  }
0x2c: {  	s7 =	sld [smem:$0x3FAB]  }
0x2d: {  	s3 =	simm.s32 $0x108;
	s8 =	sld [smem:$0x3FAC]  }
0x2e: {  	s3 =	simm.s32 @!p0 $0x1082;
	s9 =	sld [smem:$0x3FAD]  }
0x2f: {  	lr =	sadd.s32 s0, s3;
	s0 =	sld [smem:$0x3FA4]  }
0x30: {  	s3 =	sld [smem:$0x3FA7]  }
0x31: {  	[smem:$0x3FB0] =	sst s10  }
0x32: {  	s10 =	sld [smem:$0x3FAE];
	_ =	sdelay $0x3  }
0x33: {  	p0 =	seq.s32 s10, $0x1;
	s10 =	sld [smem:$0x3FB0];
	_ =	sdelay $0x3  }
0x34: {  	[smem:$0x3FB0] =	sst s10  }
0x35: {  	s10 =	sld [smem:$0x3FAF];
	_ =	sdelay $0x3  }
0x36: {  	p1 =	seq.s32 s10, $0x1;
	s10 =	sld [smem:$0x3FB0];
	_ =	sdelay $0x3  }
0x37: {  	[smem:$0x3FB0] =	sst s10  }
0x38: {  	s10 =	sld [smem:$0x3FB1]  }
0x39: {  	_ = 	snop;
	(pc) =	sbr.ind lr, $3  }
0x3a: {  	_ = 	snop  }
0x3b: {  	_ = 	snop  }
0x3c: {  	p2 =	seq.s32 s10, $0x1;
	s10 =	sld [smem:$0x3FB0]  }
0x3d: {  	_ =	shalt  }
0x3e: {  	_ =	shalt  }
0x3f: {  	_ =	shalt  }
0x40: {  	_ =	shalt  }
0x41: {  	_ =	shalt  }
0x42: {  	_ =	shalt  }
0x43: {  	_ =	shalt  }
0x44: {  	_ =	shalt  }
0x45: {  	_ =	shalt  }
0x46: {  	_ =	shalt  }
0x47: {  	_ =	shalt  }
0x48: {  	_ =	shalt  }
0x49: {  	_ =	shalt  }
0x4a: {  	_ =	shalt  }
0x4b: {  	_ =	shalt  }
0x4c: {  	_ =	shalt  }
0x4d: {  	_ =	shalt  }
0x4e: {  	_ =	shalt  }
0x4f: {  	_ =	shalt  }
0x50: {  	_ =	shalt  }
0x51: {  	_ =	shalt  }
0x52: {  	_ =	shalt  }
0x53: {  	_ =	shalt  }
0x54: {  	_ =	shalt  }
0x55: {  	_ =	shalt  }
0x56: {  	_ =	shalt  }
0x57: {  	_ =	shalt  }
0x58: {  	_ =	shalt  }
0x59: {  	_ =	shalt  }
0x5a: {  	_ =	shalt  }
0x5b: {  	_ =	shalt  }
0x5c: {  	_ =	shalt  }
0x5d: {  	_ =	shalt  }
0x5e: {  	_ =	shalt  }
0x5f: {  	_ =	shalt  }
0x60: {  	_ =	shalt  }
0x61: {  	_ =	shalt  }
0x62: {  	_ =	shalt  }
0x63: {  	_ =	shalt  }
0x64: {  	_ =	shalt  }
0x65: {  	_ =	shalt  }
0x66: {  	_ =	shalt  }
0x67: {  	_ =	shalt  }
0x68: {  	_ =	shalt  }
0x69: {  	_ =	shalt  }
0x6a: {  	_ =	shalt  }
0x6b: {  	_ =	shalt  }
0x6c: {  	_ =	shalt  }
0x6d: {  	_ =	shalt  }
0x6e: {  	_ =	shalt  }
0x6f: {  	_ =	shalt  }
0x70: {  	_ =	shalt  }
0x71: {  	_ =	shalt  }
0x72: {  	_ =	shalt  }
0x73: {  	_ =	shalt  }
0x74: {  	_ =	shalt  }
0x75: {  	_ =	shalt  }
0x76: {  	_ =	shalt  }
0x77: {  	_ =	shalt  }
0x78: {  	_ =	shalt  }
0x79: {  	_ =	shalt  }
0x7a: {  	_ =	shalt  }
0x7b: {  	_ =	shalt  }
0x7c: {  	_ =	shalt  }
0x7d: {  	_ =	shalt  }
0x7e: {  	_ =	shalt  }
0x7f: {  	_ =	shalt  }
0x80: {  	_ =	shalt  }
0x81: {  	_ =	shalt  }
0x82: {  	_ =	shalt  }
0x83: {  	_ =	shalt  }
0x84: {  	_ =	shalt  }
0x85: {  	_ =	shalt  }
0x86: {  	_ =	shalt  }
0x87: {  	_ =	shalt  }
.Lfunc_end0:
.L_simem_size_0:
called_computation.1_lowered:
.L_overlay_start_0:
0x88: {  	s2 =	sld [smem:$0x3FD9]  }
0x89: {  	s3 =	sld [smem:$0x3FFE];
	_ =	sdelay $0x1  }
0x8a: {  	s1 =	srdreg.scid  }
0x8b: {  	s0 =	sand.u32 $0x1, s1  }
0x8c: {  	s14 =	sshll.u32 s0, $0xA;
	s2 =	sadd.s32 s3, s2  }
0x8d: {  	s2 =	sadd.s32 s2, s14  }
0x8e: {  	[smem:$0x3FBC] =	sst s2  }
0x8f: {  	_ = 	snop  }
0x90: {  	s2 =	sld [smem:$0x3FD0];
	_ =	sdelay $0x2  }
0x91: {  	s4 =	simm.s32 $0xA;
	s5 =	simm.s32 $0x10;
	s15 =	sld [smem:$0x3FBE]  }
0x92: {  	[smem:s5], [sflag:s4] =	dma.local [hbm:s2], $0x1  }
0x93: {  	_ =	swait.eq [sflag:s4], $0x1  }
0x94: {  	[sflag:s4] =	ssyncset.done $0x0  }
0x95: {  	[sflag:s4] =	ssyncadd.s32 $0xFFFFFFFF  }
0x96: {  	s16 =	sld [smem:$0x13];
	(tm) =	ssettm $0x1  }
0x97: {  	s17 =	sld [smem:$0x3FFB];
	_ =	sdelay $0x3  }
0x98: {  	_ =	strace s17  }
0x99: {  	s4 =	sld [smem:$0x3FFC];
	_ =	sdelay $0x3  }
0x9a: {  	_ =	strace s4  }
0x9b: {  	s4 =	sld [smem:$0x3FFD];
	_ =	sdelay $0x3  }
0x9c: {  	_ =	strace s4  }
0x9d: {  	_ =	strace $0x8FFFFFFF  }
0x9e: {  	s18 =	sld [smem:$0x3FDB];
	_ =	sdelay $0x1  }
0x9f: {  	s19 =	simm.s32 $_scs_section_size  }
0xa0: {  	s6 =	simm.s32 $_size__tile_overlayer_lowered;
	s7 =	simm.s32 $_tile_overlayer_lowered  }
0xa1: {  	s22 =	simm.s32 $0x1BFF;
	s21 =	sshll.u32 s7, $0x1;
	s4 =	sadd.s32 s19, s18  }
0xa2: {  	s8 =	simm.s32 $0x0;
	s20 =	sshll.u32 s6, $0x1;
	s6 =	sadd.s32 s21, s4  }
0xa3: {  	[timem:s8], [sflag:s22] =	dma.local [hbm:s6], s20  }
0xa4: {  	_ =	swait.ge [sflag:s22], s20  }
0xa5: {  	s5 =	ssub.s32 $0x0, s20;
	[sflag:s22] =	ssyncset.done $0x0  }
0xa6: {  	[sflag:s22] =	ssyncadd.s32 s5;
	_ =	sdelay $0x1  }
0xa7: {  	s23 =	simm.s32 $0x1B8B  }
0xa8: {  	_ =	swait.ge [sflag:s23], $0x1  }
0xa9: {  	[sflag:s23] =	ssyncset.done $0x0  }
0xaa: {  	s25 =	simm.s32 $0x1B8E;
	s24 =	sld [smem:$0x3FFE];
	[sflag:s23] =	ssyncadd.s32 $0xFFFFFFFF  }
0xab: {  	s26 =	simm.s32 $execute0_lowered;
	[smem:$0x3FD2] =	sst s25  }
0xac: {  	s6 =	sshll.u32 s26, $0x1;
	_ =	strace $0x80000049;
	[dreg:$0x1] =	wrdreg $0xFFFFFFFF  }
0xad: {  	s28 =	simm.s32 $_size_execute0_lowered;
	s4 =	sadd.s32 s4, s6;
	[dreg:$0x0] =	wrdreg $0x0  }
0xae: {  	s6 =	sshll.u32 s28, $0x1;
	[dreg:$0x2] =	wrdreg s4  }
0xaf: {  	[dreg:$0x3] =	wrdreg s6  }
0xb0: {  	[dreg:$0x4] =	wrdreg $0xC0  }
0xb1: {  	_ =	task [dreg:s8], $0x5FFFF  }
0xb2: {  	[dreg:$0x1] =	wrdreg $0xFFFFFFFF  }
0xb3: {  	[dreg:$0x0] =	wrdreg $0x60  }
0xb4: {  	[dreg:$0x2] =	wrdreg s15  }
0xb5: {  	[dreg:$0x3] =	wrdreg s16  }
0xb6: {  	[dreg:$0x4] =	wrdreg s24  }
0xb7: {  	[dreg:$0x5] =	wrdreg $0x9  }
0xb8: {  	_ =	task.clear_ibuf [dreg:s8], $0x6FFFF;
	_ =	strace $0x90000049  }
0xb9: {  	s29 =	simm.s32 $0x9;
	_ =	strace $0x8000004B  }
0xba: {  	_ =	swait.ge [sflag:s29], $0x1  }
0xbb: {  	[sflag:s29] =	ssyncadd.s32 $0xFFFFFFFF  }
0xbc: {  	_ =	strace $0x9000004B  }
0xbd: {  	_ =	sfence  }
0xbe: {  	s30 =	sld [smem:$0x0];
	_ =	sdelay $0x2  }
0xbf: {  	s31 =	sshll.u32 s1, $0xD;
	s1 =	sshrl.u32 s1, $0x2  }
0xc0: {  	s3 =	sand.u32 $0x4000, s31;
	s1 =	sadd.s32 s1, s30  }
0xc1: {  	s0 =	sor.u32 s3, s0;
	s1 =	sshll.u32 s1, $0x11  }
0xc2: {  	s0 =	sor.u32 s1, s0  }
0xc3: {  	s0 =	sadd.s32 $0x8F2B, s0  }
0xc4: {  	[sflag:s0] =	ssyncadd.remote.s32 $0x1  }
0xc5: {  	_ =	sfence.sel $0xFFFF  }
0xc6: {  	[dreg:$0x0] =	wrdreg $0xFFFFFFFF;
	(pc) =	sbr.abs _section_cstart, $3  }
0xc7: {  	[dreg:$0x1] =	wrdreg $0xFFFFFFFF  }
0xc8: {  	_ =	task.clear_ibuf [dreg:s8], $0x2FFFF;
	_ =	strace $0x9FFFFFFF  }
0xc9: {  	(tm) =	ssettm $0x7FFFFFFF  }
tec
execute0_lowered:
.L_overlay_start_1:
0x0: {  	(tag) =	ssettag $0x1  }
0x1: {  	s0 =	srdreg.scid;
	s1 =	stileid.u32  }
0x2: {  	s0 =	sand.u32 $0x1, s0;
	s1 =	sshll.u32 s1, $0x1  }
0x3: {  	s2 =	rddreg [dreg:$0x0];
	s1 =	sor.u32 s0, s1  }
0x4: {  	s4 =	rddreg [dreg:$0x1];
	s1 =	smul.u32 $0x140, s1  }
0x5: {  	s5 =	rddreg [dreg:$0x2];
	s3 =	simm.s32 $0x0  }
0x6: {  	s8 =	simm.s32 $0x2;
	[smem:$0x7FF] =	sst s3;
	s1 =	sshrl.u32 s1, $0x3  }
0x7: {  	s15 =	simm.s32 $0x1;
	_ =	strace $0x8000004A;
	s22 =	sadd.s32 s4, s1  }
0x8: {  	s6 =	smul.u32 $0x300, s1;
	s24 =	sadd.s32 $0xA, s22;
	[dreg:$0xb] =	wrdreg s22  }
0x9: {  	s0 =	ssub.s32 $0x2, s0;
	s26 =	sadd.s32 $0x14, s22;
	[dreg:$0x5] =	wrdreg s24  }
0xa: {  	s30 =	sadd.s32 $0x1E, s22;
	s5 =	sadd.s32 s6, s5;
	[dreg:$0x7] =	wrdreg s26  }
0xb: {  	s29 =	sshrl.u32 s0, $0x1;
	[dreg:$0x9] =	wrdreg s30;
	s23 =	sadd.s32 $0x4B200, s5  }
0xc: {  	s0 =	ssub.s32 s0, s29;
	s25 =	sadd.s32 $0x4D000, s5;
	[dreg:$0x4] =	wrdreg s23  }
0xd: {  	v2 =	vlaneseq.u32;
	s7 =	smax.u32 s0, $0x1;
	s28 =	sadd.s32 $0x4EE00, s5;
	[dreg:$0x6] =	wrdreg s25  }
0xe: {  	vm0 =	vmmov $0xffff;
	v1 =	vshrl.u32 v2, $0x3;
	s6 =	sadd.s32 $0x200, s2;
	s31 =	sadd.s32 $0x50C00, s5;
	[dreg:$0x8] =	wrdreg s28  }
0xf: {  	v0 =	vand.u32 $0x7, v2;
	v2 =	vor.u32 $0x8, v2;
	v1 =	vmul.u32 $0x8, v1;
	s5 =	sadd.s32 $0x100, s2;
	[dreg:$0xa] =	wrdreg s31;
	s25 =	simm.s32 $0x80  }
.LBB2_1:
0x10: {  	s16 =	rddreg [dreg:$0xb]  }
0x11: {  	[tilespmem:s3], [sflag:$0x2] =	stream.linear.gather [hbm4b:s16+s3], $0x50, $0x38;
	[tilespmem:$0xF080] =	vst v63  }
0x12: {  	_ =	swait.ge [sflag:s8], $0x50  }
0x13: {  	[sflag:s8] =	ssyncset.done $0x0  }
0x14: {  	[sflag:s8] =	ssyncadd.s32 $0xFFFFFFB0  }
0x15: {  	v3 =	vld [tilespmem:$0x0];
	_ =	sdelay $0x4  }
0x16: {  	v4 =	vshrl.u32 v3, $0x3  }
0x17: {  	v4 =	vmul.u32 $0x30, v4  }
0x18: {  	v3 =	vand.u32 $0x7, v3  }
0x19: {  	v3 =	vor.u32 v3, v4  }
0x1a: {  	v4 =	vperm.xlane v3, v0;
	_ =	sdelay $0x1  }
0x1b: {  	v4 =	vadd.s32 v1, v4;
	_ =	sdelay $0x3  }
0x1c: {  	v3 =	vperm.xlane v3, v2  }
0x1d: {  	[tilespmem:s25], [sflag:$0x1] =	stream.indirect_vreg.gather [hbm4b:s2+s3], $0x80, v4, vm0, $0xb8;
	[tilespmem:$0xF080] =	vst v63  }
0x1e: {  	s0 =	simm.s32 $0x880;
	v3 =	vadd.s32 v1, v3  }
0x1f: {  	[tilespmem:s0], [sflag:$0x1] =	stream.indirect_vreg.gather [hbm4b:s5+s3], $0x80, v4, vm0, $0xb8;
	[tilespmem:$0xF080] =	vst v63  }
0x20: {  	s28 =	simm.s32 $0x1080  }
0x21: {  	[tilespmem:s28], [sflag:$0x1] =	stream.indirect_vreg.gather [hbm4b:s6+s3], $0x80, v4, vm0, $0xb8;
	[tilespmem:$0xF080] =	vst v63  }
0x22: {  	s29 =	simm.s32 $0x1880  }
0x23: {  	[tilespmem:s29], [sflag:$0x1] =	stream.indirect_vreg.gather [hbm4b:s2+s3], $0x80, v3, vm0, $0xb8;
	[tilespmem:$0xF080] =	vst v63  }
0x24: {  	s30 =	simm.s32 $0x2080  }
0x25: {  	[tilespmem:s30], [sflag:$0x1] =	stream.indirect_vreg.gather [hbm4b:s5+s3], $0x80, v3, vm0, $0xb8;
	[tilespmem:$0xF080] =	vst v63  }
0x26: {  	s31 =	simm.s32 $0x2880  }
0x27: {  	[tilespmem:s31], [sflag:$0x1] =	stream.indirect_vreg.gather [hbm4b:s6+s3], $0x80, v3, vm0, $0xb8;
	[tilespmem:$0xF080] =	vst v63  }
0x28: {  	v3 =	vld [tilespmem:$0x10];
	_ =	sdelay $0x4  }
0x29: {  	v45 =	vshrl.u32 v3, $0x3  }
0x2a: {  	v4 =	vmul.u32 $0x30, v45  }
0x2b: {  	v3 =	vand.u32 $0x7, v3  }
0x2c: {  	v3 =	vor.u32 v3, v4  }
0x2d: {  	v4 =	vperm.xlane v3, v0;
	_ =	sdelay $0x1  }
0x2e: {  	v4 =	vadd.s32 v1, v4;
	_ =	sdelay $0x3  }
0x2f: {  	s11 =	simm.s32 $0x3080;
	v3 =	vperm.xlane v3, v2  }
0x30: {  	[tilespmem:s11], [sflag:$0x1] =	stream.indirect_vreg.gather [hbm4b:s2+s3], $0x80, v4, vm0, $0xb8;
	[tilespmem:$0xF080] =	vst v63  }
0x31: {  	s13 =	simm.s32 $0x3880;
	v3 =	vadd.s32 v1, v3  }
0x32: {  	[tilespmem:s13], [sflag:$0x1] =	stream.indirect_vreg.gather [hbm4b:s5+s3], $0x80, v4, vm0, $0xb8;
	[tilespmem:$0xF080] =	vst v63  }
0x33: {  	s14 =	simm.s32 $0x4080  }
0x34: {  	[tilespmem:s14], [sflag:$0x1] =	stream.indirect_vreg.gather [hbm4b:s6+s3], $0x80, v4, vm0, $0xb8;
	[tilespmem:$0xF080] =	vst v63  }
0x35: {  	s16 =	simm.s32 $0x4880  }
0x36: {  	[tilespmem:s16], [sflag:$0x1] =	stream.indirect_vreg.gather [hbm4b:s2+s3], $0x80, v3, vm0, $0xb8;
	[tilespmem:$0xF080] =	vst v63  }
0x37: {  	s17 =	simm.s32 $0x5080  }
0x38: {  	[tilespmem:s17], [sflag:$0x1] =	stream.indirect_vreg.gather [hbm4b:s5+s3], $0x80, v3, vm0, $0xb8;
	[tilespmem:$0xF080] =	vst v63  }
0x39: {  	s18 =	simm.s32 $0x5880  }
0x3a: {  	[tilespmem:s18], [sflag:$0x1] =	stream.indirect_vreg.gather [hbm4b:s6+s3], $0x80, v3, vm0, $0xb8;
	[tilespmem:$0xF080] =	vst v63  }
0x3b: {  	v3 =	vld [tilespmem:$0x20];
	_ =	sdelay $0x4  }
0x3c: {  	v46 =	vshrl.u32 v3, $0x3  }
0x3d: {  	v4 =	vmul.u32 $0x30, v46  }
0x3e: {  	v3 =	vand.u32 $0x7, v3  }
0x3f: {  	v3 =	vor.u32 v3, v4  }
0x40: {  	v4 =	vperm.xlane v3, v0;
	_ =	sdelay $0x1  }
0x41: {  	v4 =	vadd.s32 v1, v4;
	_ =	sdelay $0x3  }
0x42: {  	s19 =	simm.s32 $0x6080;
	v3 =	vperm.xlane v3, v2  }
0x43: {  	[tilespmem:s19], [sflag:$0x1] =	stream.indirect_vreg.gather [hbm4b:s2+s3], $0x80, v4, vm0, $0xb8;
	[tilespmem:$0xF080] =	vst v63  }
0x44: {  	s20 =	simm.s32 $0x6880;
	v3 =	vadd.s32 v1, v3  }
0x45: {  	[tilespmem:s20], [sflag:$0x1] =	stream.indirect_vreg.gather [hbm4b:s5+s3], $0x80, v4, vm0, $0xb8;
	[tilespmem:$0xF080] =	vst v63  }
0x46: {  	s21 =	simm.s32 $0x7080  }
0x47: {  	[tilespmem:s21], [sflag:$0x1] =	stream.indirect_vreg.gather [hbm4b:s6+s3], $0x80, v4, vm0, $0xb8;
	[tilespmem:$0xF080] =	vst v63  }
0x48: {  	s22 =	simm.s32 $0x7880  }
0x49: {  	[tilespmem:s22], [sflag:$0x1] =	stream.indirect_vreg.gather [hbm4b:s2+s3], $0x80, v3, vm0, $0xb8;
	[tilespmem:$0xF080] =	vst v63  }
0x4a: {  	s23 =	simm.s32 $0x8080  }
0x4b: {  	[tilespmem:s23], [sflag:$0x1] =	stream.indirect_vreg.gather [hbm4b:s5+s3], $0x80, v3, vm0, $0xb8;
	[tilespmem:$0xF080] =	vst v63  }
0x4c: {  	s24 =	simm.s32 $0x8880  }
0x4d: {  	[tilespmem:s24], [sflag:$0x1] =	stream.indirect_vreg.gather [hbm4b:s6+s3], $0x80, v3, vm0, $0xb8;
	[tilespmem:$0xF080] =	vst v63  }
0x4e: {  	v3 =	vld [tilespmem:$0x30];
	_ =	sdelay $0x4  }
0x4f: {  	v47 =	vshrl.u32 v3, $0x3  }
0x50: {  	v4 =	vmul.u32 $0x30, v47  }
0x51: {  	v3 =	vand.u32 $0x7, v3  }
0x52: {  	v3 =	vor.u32 v3, v4  }
0x53: {  	v4 =	vperm.xlane v3, v0;
	_ =	sdelay $0x1  }
0x54: {  	v4 =	vadd.s32 v1, v4;
	_ =	sdelay $0x3  }
0x55: {  	s26 =	simm.s32 $0x9080;
	v3 =	vperm.xlane v3, v2  }
0x56: {  	[tilespmem:s26], [sflag:$0x1] =	stream.indirect_vreg.gather [hbm4b:s2+s3], $0x80, v4, vm0, $0xb8;
	[tilespmem:$0xF080] =	vst v63  }
0x57: {  	s28 =	simm.s32 $0x9880;
	v3 =	vadd.s32 v1, v3  }
0x58: {  	[tilespmem:s28], [sflag:$0x1] =	stream.indirect_vreg.gather [hbm4b:s5+s3], $0x80, v4, vm0, $0xb8;
	[tilespmem:$0xF080] =	vst v63  }
0x59: {  	s29 =	simm.s32 $0xA080  }
0x5a: {  	[tilespmem:s29], [sflag:$0x1] =	stream.indirect_vreg.gather [hbm4b:s6+s3], $0x80, v4, vm0, $0xb8;
	[tilespmem:$0xF080] =	vst v63  }
0x5b: {  	s30 =	simm.s32 $0xA880  }
0x5c: {  	[tilespmem:s30], [sflag:$0x1] =	stream.indirect_vreg.gather [hbm4b:s2+s3], $0x80, v3, vm0, $0xb8;
	[tilespmem:$0xF080] =	vst v63  }
0x5d: {  	s31 =	simm.s32 $0xB080  }
0x5e: {  	[tilespmem:s31], [sflag:$0x1] =	stream.indirect_vreg.gather [hbm4b:s5+s3], $0x80, v3, vm0, $0xb8;
	[tilespmem:$0xF080] =	vst v63  }
0x5f: {  	s0 =	simm.s32 $0xB880  }
0x60: {  	[tilespmem:s0], [sflag:$0x1] =	stream.indirect_vreg.gather [hbm4b:s6+s3], $0x80, v3, vm0, $0xb8;
	[tilespmem:$0xF080] =	vst v63  }
0x61: {  	v3 =	vld [tilespmem:$0x40];
	_ =	sdelay $0x4  }
0x62: {  	v48 =	vshrl.u32 v3, $0x3  }
0x63: {  	v4 =	vmul.u32 $0x30, v48  }
0x64: {  	v3 =	vand.u32 $0x7, v3  }
0x65: {  	v3 =	vor.u32 v3, v4  }
0x66: {  	v4 =	vperm.xlane v3, v0;
	_ =	sdelay $0x1  }
0x67: {  	v4 =	vadd.s32 v1, v4;
	_ =	sdelay $0x3  }
0x68: {  	s13 =	simm.s32 $0xC080;
	v3 =	vperm.xlane v3, v2  }
0x69: {  	[tilespmem:s13], [sflag:$0x1] =	stream.indirect_vreg.gather [hbm4b:s2+s3], $0x80, v4, vm0, $0xb8;
	[tilespmem:$0xF080] =	vst v63  }
0x6a: {  	s14 =	simm.s32 $0xC880;
	v3 =	vadd.s32 v1, v3  }
0x6b: {  	[tilespmem:s14], [sflag:$0x1] =	stream.indirect_vreg.gather [hbm4b:s5+s3], $0x80, v4, vm0, $0xb8;
	[tilespmem:$0xF080] =	vst v63  }
0x6c: {  	s17 =	simm.s32 $0xD080  }
0x6d: {  	[tilespmem:s17], [sflag:$0x1] =	stream.indirect_vreg.gather [hbm4b:s6+s3], $0x80, v4, vm0, $0xb8;
	[tilespmem:$0xF080] =	vst v63  }
0x6e: {  	s18 =	simm.s32 $0xD880  }
0x6f: {  	[tilespmem:s18], [sflag:$0x1] =	stream.indirect_vreg.gather [hbm4b:s2+s3], $0x80, v3, vm0, $0xb8;
	[tilespmem:$0xF080] =	vst v63  }
0x70: {  	s19 =	simm.s32 $0xE080  }
0x71: {  	[tilespmem:s19], [sflag:$0x1] =	stream.indirect_vreg.gather [hbm4b:s5+s3], $0x80, v3, vm0, $0xb8;
	[tilespmem:$0xF080] =	vst v63  }
0x72: {  	s20 =	simm.s32 $0xE880  }
0x73: {  	[tilespmem:s20], [sflag:$0x1] =	stream.indirect_vreg.gather [hbm4b:s6+s3], $0x80, v3, vm0, $0xb8;
	[tilespmem:$0xF080] =	vst v63  }
0x74: {  	_ =	swait.ge [sflag:s15], $0xF000  }
0x75: {  	[sflag:s15] =	ssyncset.done $0x0  }
0x76: {  	s21 =	rddreg [dreg:$0x4];
	[sflag:s15] =	ssyncadd.s32 $0xFFFF1000  }
0x77: {  	[hbm4b:s21+s3] =	stream.linear.scatter [tilespmem:s25], [sflag:$0x2], $0xF000, $0x38;
	[tilespmem:$0xF080] =	vst v63  }
0x78: {  	_ =	swait.ge [sflag:s8], $0xF000  }
0x79: {  	[sflag:s8] =	ssyncset.done $0x0  }
0x7a: {  	s22 =	rddreg [dreg:$0x5];
	[sflag:s8] =	ssyncadd.s32 $0xFFFF1000  }
0x7b: {  	[tilespmem:s3], [sflag:$0x2] =	stream.linear.gather [hbm4b:s22+s3], $0x50, $0x38;
	[tilespmem:$0xF080] =	vst v63  }
0x7c: {  	_ =	swait.ge [sflag:s8], $0x50  }
0x7d: {  	[sflag:s8] =	ssyncset.done $0x0  }
0x7e: {  	[sflag:s8] =	ssyncadd.s32 $0xFFFFFFB0  }
0x7f: {  	v3 =	vld [tilespmem:$0x0];
	_ =	sdelay $0x4  }
0x80: {  	v49 =	vshrl.u32 v3, $0x3  }
0x81: {  	v4 =	vmul.u32 $0x30, v49  }
0x82: {  	v3 =	vand.u32 $0x7, v3  }
0x83: {  	v3 =	vor.u32 v3, v4  }
0x84: {  	v4 =	vperm.xlane v3, v0;
	_ =	sdelay $0x1  }
0x85: {  	v4 =	vadd.s32 v1, v4;
	_ =	sdelay $0x3  }
0x86: {  	v3 =	vperm.xlane v3, v2  }
0x87: {  	[tilespmem:s25], [sflag:$0x1] =	stream.indirect_vreg.gather [hbm4b:s2+s3], $0x80, v4, vm0, $0xb8;
	[tilespmem:$0xF080] =	vst v63  }
0x88: {  	s1 =	simm.s32 $0x880;
	v3 =	vadd.s32 v1, v3  }
0x89: {  	[tilespmem:s1], [sflag:$0x1] =	stream.indirect_vreg.gather [hbm4b:s5+s3], $0x80, v4, vm0, $0xb8;
	[tilespmem:$0xF080] =	vst v63  }
0x8a: {  	s4 =	simm.s32 $0x1080  }
0x8b: {  	[tilespmem:s4], [sflag:$0x1] =	stream.indirect_vreg.gather [hbm4b:s6+s3], $0x80, v4, vm0, $0xb8;
	[tilespmem:$0xF080] =	vst v63  }
0x8c: {  	s9 =	simm.s32 $0x1880  }
0x8d: {  	[tilespmem:s9], [sflag:$0x1] =	stream.indirect_vreg.gather [hbm4b:s2+s3], $0x80, v3, vm0, $0xb8;
	[tilespmem:$0xF080] =	vst v63  }
0x8e: {  	s10 =	simm.s32 $0x2080  }
0x8f: {  	[tilespmem:s10], [sflag:$0x1] =	stream.indirect_vreg.gather [hbm4b:s5+s3], $0x80, v3, vm0, $0xb8;
	[tilespmem:$0xF080] =	vst v63  }
0x90: {  	s12 =	simm.s32 $0x2880  }
0x91: {  	[tilespmem:s12], [sflag:$0x1] =	stream.indirect_vreg.gather [hbm4b:s6+s3], $0x80, v3, vm0, $0xb8;
	[tilespmem:$0xF080] =	vst v63  }
0x92: {  	v3 =	vld [tilespmem:$0x10];
	_ =	sdelay $0x4  }
0x93: {  	v50 =	vshrl.u32 v3, $0x3  }
0x94: {  	v4 =	vmul.u32 $0x30, v50  }
0x95: {  	v3 =	vand.u32 $0x7, v3  }
0x96: {  	v3 =	vor.u32 v3, v4  }
0x97: {  	v4 =	vperm.xlane v3, v0;
	_ =	sdelay $0x1  }
0x98: {  	v4 =	vadd.s32 v1, v4;
	_ =	sdelay $0x3  }
0x99: {  	s13 =	simm.s32 $0x3080;
	v3 =	vperm.xlane v3, v2  }
0x9a: {  	[tilespmem:s13], [sflag:$0x1] =	stream.indirect_vreg.gather [hbm4b:s2+s3], $0x80, v4, vm0, $0xb8;
	[tilespmem:$0xF080] =	vst v63  }
0x9b: {  	s11 =	simm.s32 $0x3880;
	v3 =	vadd.s32 v1, v3  }
0x9c: {  	[tilespmem:s11], [sflag:$0x1] =	stream.indirect_vreg.gather [hbm4b:s5+s3], $0x80, v4, vm0, $0xb8;
	[tilespmem:$0xF080] =	vst v63  }
0x9d: {  	s14 =	simm.s32 $0x4080  }
0x9e: {  	[tilespmem:s14], [sflag:$0x1] =	stream.indirect_vreg.gather [hbm4b:s6+s3], $0x80, v4, vm0, $0xb8;
	[tilespmem:$0xF080] =	vst v63  }
0x9f: {  	s17 =	simm.s32 $0x4880  }
0xa0: {  	[tilespmem:s17], [sflag:$0x1] =	stream.indirect_vreg.gather [hbm4b:s2+s3], $0x80, v3, vm0, $0xb8;
	[tilespmem:$0xF080] =	vst v63  }
0xa1: {  	s18 =	simm.s32 $0x5080  }
0xa2: {  	[tilespmem:s18], [sflag:$0x1] =	stream.indirect_vreg.gather [hbm4b:s5+s3], $0x80, v3, vm0, $0xb8;
	[tilespmem:$0xF080] =	vst v63  }
0xa3: {  	s19 =	simm.s32 $0x5880  }
0xa4: {  	[tilespmem:s19], [sflag:$0x1] =	stream.indirect_vreg.gather [hbm4b:s6+s3], $0x80, v3, vm0, $0xb8;
	[tilespmem:$0xF080] =	vst v63  }
0xa5: {  	v3 =	vld [tilespmem:$0x20];
	_ =	sdelay $0x4  }
0xa6: {  	v51 =	vshrl.u32 v3, $0x3  }
0xa7: {  	v4 =	vmul.u32 $0x30, v51  }
0xa8: {  	v3 =	vand.u32 $0x7, v3  }
0xa9: {  	v3 =	vor.u32 v3, v4  }
0xaa: {  	v4 =	vperm.xlane v3, v0;
	_ =	sdelay $0x1  }
0xab: {  	v4 =	vadd.s32 v1, v4;
	_ =	sdelay $0x3  }
0xac: {  	s20 =	simm.s32 $0x6080;
	v3 =	vperm.xlane v3, v2  }
0xad: {  	[tilespmem:s20], [sflag:$0x1] =	stream.indirect_vreg.gather [hbm4b:s2+s3], $0x80, v4, vm0, $0xb8;
	[tilespmem:$0xF080] =	vst v63  }
0xae: {  	s21 =	simm.s32 $0x6880;
	v3 =	vadd.s32 v1, v3  }
0xaf: {  	[tilespmem:s21], [sflag:$0x1] =	stream.indirect_vreg.gather [hbm4b:s5+s3], $0x80, v4, vm0, $0xb8;
	[tilespmem:$0xF080] =	vst v63  }
0xb0: {  	s22 =	simm.s32 $0x7080  }
0xb1: {  	[tilespmem:s22], [sflag:$0x1] =	stream.indirect_vreg.gather [hbm4b:s6+s3], $0x80, v4, vm0, $0xb8;
	[tilespmem:$0xF080] =	vst v63  }
0xb2: {  	s1 =	simm.s32 $0x7880  }
0xb3: {  	[tilespmem:s1], [sflag:$0x1] =	stream.indirect_vreg.gather [hbm4b:s2+s3], $0x80, v3, vm0, $0xb8;
	[tilespmem:$0xF080] =	vst v63  }
0xb4: {  	s0 =	simm.s32 $0x8080  }
0xb5: {  	[tilespmem:s0], [sflag:$0x1] =	stream.indirect_vreg.gather [hbm4b:s5+s3], $0x80, v3, vm0, $0xb8;
	[tilespmem:$0xF080] =	vst v63  }
0xb6: {  	s11 =	simm.s32 $0x8880  }
0xb7: {  	[tilespmem:s11], [sflag:$0x1] =	stream.indirect_vreg.gather [hbm4b:s6+s3], $0x80, v3, vm0, $0xb8;
	[tilespmem:$0xF080] =	vst v63  }
0xb8: {  	v3 =	vld [tilespmem:$0x30];
	_ =	sdelay $0x4  }
0xb9: {  	v52 =	vshrl.u32 v3, $0x3  }
0xba: {  	v4 =	vmul.u32 $0x30, v52  }
0xbb: {  	v3 =	vand.u32 $0x7, v3  }
0xbc: {  	v3 =	vor.u32 v3, v4  }
0xbd: {  	v4 =	vperm.xlane v3, v0;
	_ =	sdelay $0x1  }
0xbe: {  	v4 =	vadd.s32 v1, v4;
	_ =	sdelay $0x3  }
0xbf: {  	s12 =	simm.s32 $0x9080;
	v3 =	vperm.xlane v3, v2  }
0xc0: {  	[tilespmem:s12], [sflag:$0x1] =	stream.indirect_vreg.gather [hbm4b:s2+s3], $0x80, v4, vm0, $0xb8;
	[tilespmem:$0xF080] =	vst v63  }
0xc1: {  	s4 =	simm.s32 $0x9880;
	v3 =	vadd.s32 v1, v3  }
0xc2: {  	[tilespmem:s4], [sflag:$0x1] =	stream.indirect_vreg.gather [hbm4b:s5+s3], $0x80, v4, vm0, $0xb8;
	[tilespmem:$0xF080] =	vst v63  }
0xc3: {  	s9 =	simm.s32 $0xA080  }
0xc4: {  	[tilespmem:s9], [sflag:$0x1] =	stream.indirect_vreg.gather [hbm4b:s6+s3], $0x80, v4, vm0, $0xb8;
	[tilespmem:$0xF080] =	vst v63  }
0xc5: {  	s10 =	simm.s32 $0xA880  }
0xc6: {  	[tilespmem:s10], [sflag:$0x1] =	stream.indirect_vreg.gather [hbm4b:s2+s3], $0x80, v3, vm0, $0xb8;
	[tilespmem:$0xF080] =	vst v63  }
0xc7: {  	s28 =	simm.s32 $0xB080  }
0xc8: {  	[tilespmem:s28], [sflag:$0x1] =	stream.indirect_vreg.gather [hbm4b:s5+s3], $0x80, v3, vm0, $0xb8;
	[tilespmem:$0xF080] =	vst v63  }
0xc9: {  	s23 =	simm.s32 $0xB880  }
0xca: {  	[tilespmem:s23], [sflag:$0x1] =	stream.indirect_vreg.gather [hbm4b:s6+s3], $0x80, v3, vm0, $0xb8;
	[tilespmem:$0xF080] =	vst v63  }
0xcb: {  	v3 =	vld [tilespmem:$0x40];
	_ =	sdelay $0x4  }
0xcc: {  	v53 =	vshrl.u32 v3, $0x3  }
0xcd: {  	v4 =	vmul.u32 $0x30, v53  }
0xce: {  	v3 =	vand.u32 $0x7, v3  }
0xcf: {  	v3 =	vor.u32 v3, v4  }
0xd0: {  	v4 =	vperm.xlane v3, v0;
	_ =	sdelay $0x1  }
0xd1: {  	v4 =	vadd.s32 v1, v4;
	_ =	sdelay $0x3  }
0xd2: {  	s24 =	simm.s32 $0xC080;
	v3 =	vperm.xlane v3, v2  }
0xd3: {  	[tilespmem:s24], [sflag:$0x1] =	stream.indirect_vreg.gather [hbm4b:s2+s3], $0x80, v4, vm0, $0xb8;
	[tilespmem:$0xF080] =	vst v63  }
0xd4: {  	s31 =	simm.s32 $0xC880;
	v3 =	vadd.s32 v1, v3  }
0xd5: {  	[tilespmem:s31], [sflag:$0x1] =	stream.indirect_vreg.gather [hbm4b:s5+s3], $0x80, v4, vm0, $0xb8;
	[tilespmem:$0xF080] =	vst v63  }
0xd6: {  	s23 =	simm.s32 $0xD080  }
0xd7: {  	[tilespmem:s23], [sflag:$0x1] =	stream.indirect_vreg.gather [hbm4b:s6+s3], $0x80, v4, vm0, $0xb8;
	[tilespmem:$0xF080] =	vst v63  }
0xd8: {  	s31 =	simm.s32 $0xD880  }
0xd9: {  	[tilespmem:s31], [sflag:$0x1] =	stream.indirect_vreg.gather [hbm4b:s2+s3], $0x80, v3, vm0, $0xb8;
	[tilespmem:$0xF080] =	vst v63  }
0xda: {  	s23 =	simm.s32 $0xE080  }
0xdb: {  	[tilespmem:s23], [sflag:$0x1] =	stream.indirect_vreg.gather [hbm4b:s5+s3], $0x80, v3, vm0, $0xb8;
	[tilespmem:$0xF080] =	vst v63  }
0xdc: {  	s26 =	simm.s32 $0xE880  }
0xdd: {  	[tilespmem:s26], [sflag:$0x1] =	stream.indirect_vreg.gather [hbm4b:s6+s3], $0x80, v3, vm0, $0xb8;
	[tilespmem:$0xF080] =	vst v63  }
0xde: {  	_ =	swait.ge [sflag:s15], $0xF000  }
0xdf: {  	[sflag:s15] =	ssyncset.done $0x0  }
0xe0: {  	s26 =	rddreg [dreg:$0x6];
	[sflag:s15] =	ssyncadd.s32 $0xFFFF1000  }
0xe1: {  	[hbm4b:s26+s3] =	stream.linear.scatter [tilespmem:s25], [sflag:$0x2], $0xF000, $0x38;
	[tilespmem:$0xF080] =	vst v63  }
0xe2: {  	_ =	swait.ge [sflag:s8], $0xF000  }
0xe3: {  	[sflag:s8] =	ssyncset.done $0x0  }
0xe4: {  	s23 =	rddreg [dreg:$0x7];
	[sflag:s8] =	ssyncadd.s32 $0xFFFF1000  }
0xe5: {  	[tilespmem:s3], [sflag:$0x2] =	stream.linear.gather [hbm4b:s23+s3], $0x50, $0x38;
	[tilespmem:$0xF080] =	vst v63  }
0xe6: {  	_ =	swait.ge [sflag:s8], $0x50  }
0xe7: {  	[sflag:s8] =	ssyncset.done $0x0  }
0xe8: {  	[sflag:s8] =	ssyncadd.s32 $0xFFFFFFB0  }
0xe9: {  	v3 =	vld [tilespmem:$0x0];
	_ =	sdelay $0x4  }
0xea: {  	v54 =	vshrl.u32 v3, $0x3  }
0xeb: {  	v4 =	vmul.u32 $0x30, v54  }
0xec: {  	v3 =	vand.u32 $0x7, v3  }
0xed: {  	v3 =	vor.u32 v3, v4  }
0xee: {  	v4 =	vperm.xlane v3, v0;
	_ =	sdelay $0x1  }
0xef: {  	v4 =	vadd.s32 v1, v4;
	_ =	sdelay $0x3  }
0xf0: {  	v3 =	vperm.xlane v3, v2  }
0xf1: {  	[tilespmem:s25], [sflag:$0x1] =	stream.indirect_vreg.gather [hbm4b:s2+s3], $0x80, v4, vm0, $0xb8;
	[tilespmem:$0xF080] =	vst v63  }
0xf2: {  	s29 =	simm.s32 $0x880;
	v3 =	vadd.s32 v1, v3  }
0xf3: {  	[tilespmem:s29], [sflag:$0x1] =	stream.indirect_vreg.gather [hbm4b:s5+s3], $0x80, v4, vm0, $0xb8;
	[tilespmem:$0xF080] =	vst v63  }
0xf4: {  	s30 =	simm.s32 $0x1080  }
0xf5: {  	[tilespmem:s30], [sflag:$0x1] =	stream.indirect_vreg.gather [hbm4b:s6+s3], $0x80, v4, vm0, $0xb8;
	[tilespmem:$0xF080] =	vst v63  }
0xf6: {  	s26 =	simm.s32 $0x1880  }
0xf7: {  	[tilespmem:s26], [sflag:$0x1] =	stream.indirect_vreg.gather [hbm4b:s2+s3], $0x80, v3, vm0, $0xb8;
	[tilespmem:$0xF080] =	vst v63  }
0xf8: {  	s30 =	simm.s32 $0x2080  }
0xf9: {  	[tilespmem:s30], [sflag:$0x1] =	stream.indirect_vreg.gather [hbm4b:s5+s3], $0x80, v3, vm0, $0xb8;
	[tilespmem:$0xF080] =	vst v63  }
0xfa: {  	s26 =	simm.s32 $0x2880  }
0xfb: {  	[tilespmem:s26], [sflag:$0x1] =	stream.indirect_vreg.gather [hbm4b:s6+s3], $0x80, v3, vm0, $0xb8;
	[tilespmem:$0xF080] =	vst v63  }
0xfc: {  	v3 =	vld [tilespmem:$0x10];
	_ =	sdelay $0x4  }
0xfd: {  	v55 =	vshrl.u32 v3, $0x3  }
0xfe: {  	v4 =	vmul.u32 $0x30, v55  }
0xff: {  	v3 =	vand.u32 $0x7, v3  }
0x100: {  	v3 =	vor.u32 v3, v4  }
0x101: {  	v4 =	vperm.xlane v3, v0;
	_ =	sdelay $0x1  }
0x102: {  	v4 =	vadd.s32 v1, v4;
	_ =	sdelay $0x3  }
0x103: {  	v3 =	vperm.xlane v3, v2  }
0x104: {  	[tilespmem:s13], [sflag:$0x1] =	stream.indirect_vreg.gather [hbm4b:s2+s3], $0x80, v4, vm0, $0xb8;
	[tilespmem:$0xF080] =	vst v63  }
0x105: {  	s30 =	simm.s32 $0x3880;
	v3 =	vadd.s32 v1, v3  }
0x106: {  	[tilespmem:s30], [sflag:$0x1] =	stream.indirect_vreg.gather [hbm4b:s5+s3], $0x80, v4, vm0, $0xb8;
	[tilespmem:$0xF080] =	vst v63  }
0x107: {  	_ = 	snop  }
0x108: {  	[tilespmem:s14], [sflag:$0x1] =	stream.indirect_vreg.gather [hbm4b:s6+s3], $0x80, v4, vm0, $0xb8;
	[tilespmem:$0xF080] =	vst v63  }
0x109: {  	_ = 	snop  }
0x10a: {  	[tilespmem:s17], [sflag:$0x1] =	stream.indirect_vreg.gather [hbm4b:s2+s3], $0x80, v3, vm0, $0xb8;
	[tilespmem:$0xF080] =	vst v63  }
0x10b: {  	_ = 	snop  }
0x10c: {  	[tilespmem:s18], [sflag:$0x1] =	stream.indirect_vreg.gather [hbm4b:s5+s3], $0x80, v3, vm0, $0xb8;
	[tilespmem:$0xF080] =	vst v63  }
0x10d: {  	_ = 	snop  }
0x10e: {  	[tilespmem:s19], [sflag:$0x1] =	stream.indirect_vreg.gather [hbm4b:s6+s3], $0x80, v3, vm0, $0xb8;
	[tilespmem:$0xF080] =	vst v63  }
0x10f: {  	v3 =	vld [tilespmem:$0x20];
	_ =	sdelay $0x4  }
0x110: {  	v56 =	vshrl.u32 v3, $0x3  }
0x111: {  	v4 =	vmul.u32 $0x30, v56  }
0x112: {  	v3 =	vand.u32 $0x7, v3  }
0x113: {  	v3 =	vor.u32 v3, v4  }
0x114: {  	v4 =	vperm.xlane v3, v0;
	_ =	sdelay $0x1  }
0x115: {  	v4 =	vadd.s32 v1, v4;
	_ =	sdelay $0x3  }
0x116: {  	v3 =	vperm.xlane v3, v2  }
0x117: {  	[tilespmem:s20], [sflag:$0x1] =	stream.indirect_vreg.gather [hbm4b:s2+s3], $0x80, v4, vm0, $0xb8;
	[tilespmem:$0xF080] =	vst v63  }
0x118: {  	v3 =	vadd.s32 v1, v3  }
0x119: {  	[tilespmem:s21], [sflag:$0x1] =	stream.indirect_vreg.gather [hbm4b:s5+s3], $0x80, v4, vm0, $0xb8;
	[tilespmem:$0xF080] =	vst v63  }
0x11a: {  	_ = 	snop  }
0x11b: {  	[tilespmem:s22], [sflag:$0x1] =	stream.indirect_vreg.gather [hbm4b:s6+s3], $0x80, v4, vm0, $0xb8;
	[tilespmem:$0xF080] =	vst v63  }
0x11c: {  	_ = 	snop  }
0x11d: {  	[tilespmem:s1], [sflag:$0x1] =	stream.indirect_vreg.gather [hbm4b:s2+s3], $0x80, v3, vm0, $0xb8;
	[tilespmem:$0xF080] =	vst v63  }
0x11e: {  	_ = 	snop  }
0x11f: {  	[tilespmem:s0], [sflag:$0x1] =	stream.indirect_vreg.gather [hbm4b:s5+s3], $0x80, v3, vm0, $0xb8;
	[tilespmem:$0xF080] =	vst v63  }
0x120: {  	_ = 	snop  }
0x121: {  	[tilespmem:s11], [sflag:$0x1] =	stream.indirect_vreg.gather [hbm4b:s6+s3], $0x80, v3, vm0, $0xb8;
	[tilespmem:$0xF080] =	vst v63  }
0x122: {  	v3 =	vld [tilespmem:$0x30];
	_ =	sdelay $0x4  }
0x123: {  	v57 =	vshrl.u32 v3, $0x3  }
0x124: {  	v4 =	vmul.u32 $0x30, v57  }
0x125: {  	v3 =	vand.u32 $0x7, v3  }
0x126: {  	v3 =	vor.u32 v3, v4  }
0x127: {  	v4 =	vperm.xlane v3, v0;
	_ =	sdelay $0x1  }
0x128: {  	v4 =	vadd.s32 v1, v4;
	_ =	sdelay $0x3  }
0x129: {  	v3 =	vperm.xlane v3, v2  }
0x12a: {  	[tilespmem:s12], [sflag:$0x1] =	stream.indirect_vreg.gather [hbm4b:s2+s3], $0x80, v4, vm0, $0xb8;
	[tilespmem:$0xF080] =	vst v63  }
0x12b: {  	v3 =	vadd.s32 v1, v3  }
0x12c: {  	[tilespmem:s4], [sflag:$0x1] =	stream.indirect_vreg.gather [hbm4b:s5+s3], $0x80, v4, vm0, $0xb8;
	[tilespmem:$0xF080] =	vst v63  }
0x12d: {  	_ = 	snop  }
0x12e: {  	[tilespmem:s9], [sflag:$0x1] =	stream.indirect_vreg.gather [hbm4b:s6+s3], $0x80, v4, vm0, $0xb8;
	[tilespmem:$0xF080] =	vst v63  }
0x12f: {  	_ = 	snop  }
0x130: {  	[tilespmem:s10], [sflag:$0x1] =	stream.indirect_vreg.gather [hbm4b:s2+s3], $0x80, v3, vm0, $0xb8;
	[tilespmem:$0xF080] =	vst v63  }
0x131: {  	s28 =	simm.s32 $0xB080  }
0x132: {  	[tilespmem:s28], [sflag:$0x1] =	stream.indirect_vreg.gather [hbm4b:s5+s3], $0x80, v3, vm0, $0xb8;
	[tilespmem:$0xF080] =	vst v63  }
0x133: {  	s26 =	simm.s32 $0xB880  }
0x134: {  	[tilespmem:s26], [sflag:$0x1] =	stream.indirect_vreg.gather [hbm4b:s6+s3], $0x80, v3, vm0, $0xb8;
	[tilespmem:$0xF080] =	vst v63  }
0x135: {  	v3 =	vld [tilespmem:$0x40];
	_ =	sdelay $0x4  }
0x136: {  	v58 =	vshrl.u32 v3, $0x3  }
0x137: {  	v4 =	vmul.u32 $0x30, v58  }
0x138: {  	v3 =	vand.u32 $0x7, v3  }
0x139: {  	v3 =	vor.u32 v3, v4  }
0x13a: {  	v4 =	vperm.xlane v3, v0;
	_ =	sdelay $0x1  }
0x13b: {  	v4 =	vadd.s32 v1, v4;
	_ =	sdelay $0x3  }
0x13c: {  	s30 =	simm.s32 $0xC080;
	v3 =	vperm.xlane v3, v2  }
0x13d: {  	[tilespmem:s30], [sflag:$0x1] =	stream.indirect_vreg.gather [hbm4b:s2+s3], $0x80, v4, vm0, $0xb8;
	[tilespmem:$0xF080] =	vst v63  }
0x13e: {  	s24 =	simm.s32 $0xC880;
	v3 =	vadd.s32 v1, v3  }
0x13f: {  	[tilespmem:s24], [sflag:$0x1] =	stream.indirect_vreg.gather [hbm4b:s5+s3], $0x80, v4, vm0, $0xb8;
	[tilespmem:$0xF080] =	vst v63  }
0x140: {  	s26 =	simm.s32 $0xD080  }
0x141: {  	[tilespmem:s26], [sflag:$0x1] =	stream.indirect_vreg.gather [hbm4b:s6+s3], $0x80, v4, vm0, $0xb8;
	[tilespmem:$0xF080] =	vst v63  }
0x142: {  	s31 =	simm.s32 $0xD880  }
0x143: {  	[tilespmem:s31], [sflag:$0x1] =	stream.indirect_vreg.gather [hbm4b:s2+s3], $0x80, v3, vm0, $0xb8;
	[tilespmem:$0xF080] =	vst v63  }
0x144: {  	s31 =	simm.s32 $0xE080  }
0x145: {  	[tilespmem:s31], [sflag:$0x1] =	stream.indirect_vreg.gather [hbm4b:s5+s3], $0x80, v3, vm0, $0xb8;
	[tilespmem:$0xF080] =	vst v63  }
0x146: {  	s16 =	simm.s32 $0xE880  }
0x147: {  	[tilespmem:s16], [sflag:$0x1] =	stream.indirect_vreg.gather [hbm4b:s6+s3], $0x80, v3, vm0, $0xb8;
	[tilespmem:$0xF080] =	vst v63  }
0x148: {  	_ =	swait.ge [sflag:s15], $0xF000  }
0x149: {  	[sflag:s15] =	ssyncset.done $0x0  }
0x14a: {  	s16 =	rddreg [dreg:$0x8];
	[sflag:s15] =	ssyncadd.s32 $0xFFFF1000  }
0x14b: {  	[hbm4b:s16+s3] =	stream.linear.scatter [tilespmem:s25], [sflag:$0x2], $0xF000, $0x38;
	[tilespmem:$0xF080] =	vst v63  }
0x14c: {  	_ =	swait.ge [sflag:s8], $0xF000  }
0x14d: {  	[sflag:s8] =	ssyncset.done $0x0  }
0x14e: {  	s16 =	rddreg [dreg:$0x9];
	[sflag:s8] =	ssyncadd.s32 $0xFFFF1000  }
0x14f: {  	[tilespmem:s3], [sflag:$0x2] =	stream.linear.gather [hbm4b:s16+s3], $0x50, $0x38;
	[tilespmem:$0xF080] =	vst v63  }
0x150: {  	_ =	swait.ge [sflag:s8], $0x50  }
0x151: {  	[sflag:s8] =	ssyncset.done $0x0  }
0x152: {  	[sflag:s8] =	ssyncadd.s32 $0xFFFFFFB0  }
0x153: {  	v3 =	vld [tilespmem:$0x0];
	_ =	sdelay $0x4  }
0x154: {  	v59 =	vshrl.u32 v3, $0x3  }
0x155: {  	v4 =	vmul.u32 $0x30, v59  }
0x156: {  	v3 =	vand.u32 $0x7, v3  }
0x157: {  	v3 =	vor.u32 v3, v4  }
0x158: {  	v4 =	vperm.xlane v3, v0;
	_ =	sdelay $0x1  }
0x159: {  	v4 =	vadd.s32 v1, v4;
	_ =	sdelay $0x3  }
0x15a: {  	v3 =	vperm.xlane v3, v2  }
0x15b: {  	[tilespmem:s25], [sflag:$0x1] =	stream.indirect_vreg.gather [hbm4b:s2+s3], $0x80, v4, vm0, $0xb8;
	[tilespmem:$0xF080] =	vst v63  }
0x15c: {  	s29 =	simm.s32 $0x880;
	v3 =	vadd.s32 v1, v3  }
0x15d: {  	[tilespmem:s29], [sflag:$0x1] =	stream.indirect_vreg.gather [hbm4b:s5+s3], $0x80, v4, vm0, $0xb8;
	[tilespmem:$0xF080] =	vst v63  }
0x15e: {  	s23 =	simm.s32 $0x1080  }
0x15f: {  	[tilespmem:s23], [sflag:$0x1] =	stream.indirect_vreg.gather [hbm4b:s6+s3], $0x80, v4, vm0, $0xb8;
	[tilespmem:$0xF080] =	vst v63  }
0x160: {  	s29 =	simm.s32 $0x1880  }
0x161: {  	[tilespmem:s29], [sflag:$0x1] =	stream.indirect_vreg.gather [hbm4b:s2+s3], $0x80, v3, vm0, $0xb8;
	[tilespmem:$0xF080] =	vst v63  }
0x162: {  	s23 =	simm.s32 $0x2080  }
0x163: {  	[tilespmem:s23], [sflag:$0x1] =	stream.indirect_vreg.gather [hbm4b:s5+s3], $0x80, v3, vm0, $0xb8;
	[tilespmem:$0xF080] =	vst v63  }
0x164: {  	s29 =	simm.s32 $0x2880  }
0x165: {  	[tilespmem:s29], [sflag:$0x1] =	stream.indirect_vreg.gather [hbm4b:s6+s3], $0x80, v3, vm0, $0xb8;
	[tilespmem:$0xF080] =	vst v63  }
0x166: {  	v3 =	vld [tilespmem:$0x10];
	_ =	sdelay $0x4  }
0x167: {  	v60 =	vshrl.u32 v3, $0x3  }
0x168: {  	v4 =	vmul.u32 $0x30, v60  }
0x169: {  	v3 =	vand.u32 $0x7, v3  }
0x16a: {  	v3 =	vor.u32 v3, v4  }
0x16b: {  	v4 =	vperm.xlane v3, v0;
	_ =	sdelay $0x1  }
0x16c: {  	v4 =	vadd.s32 v1, v4;
	_ =	sdelay $0x3  }
0x16d: {  	s13 =	simm.s32 $0x3080;
	v3 =	vperm.xlane v3, v2  }
0x16e: {  	[tilespmem:s13], [sflag:$0x1] =	stream.indirect_vreg.gather [hbm4b:s2+s3], $0x80, v4, vm0, $0xb8;
	[tilespmem:$0xF080] =	vst v63  }
0x16f: {  	s23 =	simm.s32 $0x3880;
	v3 =	vadd.s32 v1, v3  }
0x170: {  	[tilespmem:s23], [sflag:$0x1] =	stream.indirect_vreg.gather [hbm4b:s5+s3], $0x80, v4, vm0, $0xb8;
	[tilespmem:$0xF080] =	vst v63  }
0x171: {  	s14 =	simm.s32 $0x4080  }
0x172: {  	[tilespmem:s14], [sflag:$0x1] =	stream.indirect_vreg.gather [hbm4b:s6+s3], $0x80, v4, vm0, $0xb8;
	[tilespmem:$0xF080] =	vst v63  }
0x173: {  	s17 =	simm.s32 $0x4880  }
0x174: {  	[tilespmem:s17], [sflag:$0x1] =	stream.indirect_vreg.gather [hbm4b:s2+s3], $0x80, v3, vm0, $0xb8;
	[tilespmem:$0xF080] =	vst v63  }
0x175: {  	s18 =	simm.s32 $0x5080  }
0x176: {  	[tilespmem:s18], [sflag:$0x1] =	stream.indirect_vreg.gather [hbm4b:s5+s3], $0x80, v3, vm0, $0xb8;
	[tilespmem:$0xF080] =	vst v63  }
0x177: {  	s19 =	simm.s32 $0x5880  }
0x178: {  	[tilespmem:s19], [sflag:$0x1] =	stream.indirect_vreg.gather [hbm4b:s6+s3], $0x80, v3, vm0, $0xb8;
	[tilespmem:$0xF080] =	vst v63  }
0x179: {  	v3 =	vld [tilespmem:$0x20];
	_ =	sdelay $0x4  }
0x17a: {  	v61 =	vshrl.u32 v3, $0x3  }
0x17b: {  	v4 =	vmul.u32 $0x30, v61  }
0x17c: {  	v3 =	vand.u32 $0x7, v3  }
0x17d: {  	v3 =	vor.u32 v3, v4  }
0x17e: {  	v4 =	vperm.xlane v3, v0;
	_ =	sdelay $0x1  }
0x17f: {  	v4 =	vadd.s32 v1, v4;
	_ =	sdelay $0x3  }
0x180: {  	s20 =	simm.s32 $0x6080;
	v3 =	vperm.xlane v3, v2  }
0x181: {  	[tilespmem:s20], [sflag:$0x1] =	stream.indirect_vreg.gather [hbm4b:s2+s3], $0x80, v4, vm0, $0xb8;
	[tilespmem:$0xF080] =	vst v63  }
0x182: {  	s21 =	simm.s32 $0x6880;
	v3 =	vadd.s32 v1, v3  }
0x183: {  	[tilespmem:s21], [sflag:$0x1] =	stream.indirect_vreg.gather [hbm4b:s5+s3], $0x80, v4, vm0, $0xb8;
	[tilespmem:$0xF080] =	vst v63  }
0x184: {  	s22 =	simm.s32 $0x7080  }
0x185: {  	[tilespmem:s22], [sflag:$0x1] =	stream.indirect_vreg.gather [hbm4b:s6+s3], $0x80, v4, vm0, $0xb8;
	[tilespmem:$0xF080] =	vst v63  }
0x186: {  	s1 =	simm.s32 $0x7880  }
0x187: {  	[tilespmem:s1], [sflag:$0x1] =	stream.indirect_vreg.gather [hbm4b:s2+s3], $0x80, v3, vm0, $0xb8;
	[tilespmem:$0xF080] =	vst v63  }
0x188: {  	s0 =	simm.s32 $0x8080  }
0x189: {  	[tilespmem:s0], [sflag:$0x1] =	stream.indirect_vreg.gather [hbm4b:s5+s3], $0x80, v3, vm0, $0xb8;
	[tilespmem:$0xF080] =	vst v63  }
0x18a: {  	s11 =	simm.s32 $0x8880  }
0x18b: {  	[tilespmem:s11], [sflag:$0x1] =	stream.indirect_vreg.gather [hbm4b:s6+s3], $0x80, v3, vm0, $0xb8;
	[tilespmem:$0xF080] =	vst v63  }
0x18c: {  	v3 =	vld [tilespmem:$0x30];
	_ =	sdelay $0x4  }
0x18d: {  	v62 =	vshrl.u32 v3, $0x3  }
0x18e: {  	v4 =	vmul.u32 $0x30, v62  }
0x18f: {  	v3 =	vand.u32 $0x7, v3  }
0x190: {  	v3 =	vor.u32 v3, v4  }
0x191: {  	v4 =	vperm.xlane v3, v0;
	_ =	sdelay $0x1  }
0x192: {  	v4 =	vadd.s32 v1, v4;
	_ =	sdelay $0x3  }
0x193: {  	s12 =	simm.s32 $0x9080;
	v3 =	vperm.xlane v3, v2  }
0x194: {  	[tilespmem:s12], [sflag:$0x1] =	stream.indirect_vreg.gather [hbm4b:s2+s3], $0x80, v4, vm0, $0xb8;
	[tilespmem:$0xF080] =	vst v63  }
0x195: {  	s4 =	simm.s32 $0x9880;
	v3 =	vadd.s32 v1, v3  }
0x196: {  	[tilespmem:s4], [sflag:$0x1] =	stream.indirect_vreg.gather [hbm4b:s5+s3], $0x80, v4, vm0, $0xb8;
	[tilespmem:$0xF080] =	vst v63  }
0x197: {  	s9 =	simm.s32 $0xA080  }
0x198: {  	[tilespmem:s9], [sflag:$0x1] =	stream.indirect_vreg.gather [hbm4b:s6+s3], $0x80, v4, vm0, $0xb8;
	[tilespmem:$0xF080] =	vst v63  }
0x199: {  	s10 =	simm.s32 $0xA880  }
0x19a: {  	[tilespmem:s10], [sflag:$0x1] =	stream.indirect_vreg.gather [hbm4b:s2+s3], $0x80, v3, vm0, $0xb8;
	[tilespmem:$0xF080] =	vst v63  }
0x19b: {  	s28 =	simm.s32 $0xB080  }
0x19c: {  	[tilespmem:s28], [sflag:$0x1] =	stream.indirect_vreg.gather [hbm4b:s5+s3], $0x80, v3, vm0, $0xb8;
	[tilespmem:$0xF080] =	vst v63  }
0x19d: {  	s28 =	simm.s32 $0xB880  }
0x19e: {  	[tilespmem:s28], [sflag:$0x1] =	stream.indirect_vreg.gather [hbm4b:s6+s3], $0x80, v3, vm0, $0xb8;
	[tilespmem:$0xF080] =	vst v63  }
0x19f: {  	v3 =	vld [tilespmem:$0x40];
	_ =	sdelay $0x4  }
0x1a0: {  	v63 =	vshrl.u32 v3, $0x3  }
0x1a1: {  	v4 =	vmul.u32 $0x30, v63  }
0x1a2: {  	v3 =	vand.u32 $0x7, v3  }
0x1a3: {  	v3 =	vor.u32 v3, v4  }
0x1a4: {  	v4 =	vperm.xlane v3, v0;
	_ =	sdelay $0x1  }
0x1a5: {  	v4 =	vadd.s32 v1, v4;
	_ =	sdelay $0x3  }
0x1a6: {  	s29 =	simm.s32 $0xC080;
	v3 =	vperm.xlane v3, v2  }
0x1a7: {  	[tilespmem:s29], [sflag:$0x1] =	stream.indirect_vreg.gather [hbm4b:s2+s3], $0x80, v4, vm0, $0xb8;
	[tilespmem:$0xF080] =	vst v63  }
0x1a8: {  	s30 =	simm.s32 $0xC880;
	v3 =	vadd.s32 v1, v3  }
0x1a9: {  	[tilespmem:s30], [sflag:$0x1] =	stream.indirect_vreg.gather [hbm4b:s5+s3], $0x80, v4, vm0, $0xb8;
	[tilespmem:$0xF080] =	vst v63  }
0x1aa: {  	s26 =	simm.s32 $0xD080  }
0x1ab: {  	[tilespmem:s26], [sflag:$0x1] =	stream.indirect_vreg.gather [hbm4b:s6+s3], $0x80, v4, vm0, $0xb8;
	[tilespmem:$0xF080] =	vst v63  }
0x1ac: {  	s24 =	simm.s32 $0xD880  }
0x1ad: {  	[tilespmem:s24], [sflag:$0x1] =	stream.indirect_vreg.gather [hbm4b:s2+s3], $0x80, v3, vm0, $0xb8;
	[tilespmem:$0xF080] =	vst v63  }
0x1ae: {  	s31 =	simm.s32 $0xE080  }
0x1af: {  	[tilespmem:s31], [sflag:$0x1] =	stream.indirect_vreg.gather [hbm4b:s5+s3], $0x80, v3, vm0, $0xb8;
	[tilespmem:$0xF080] =	vst v63  }
0x1b0: {  	s30 =	simm.s32 $0xE880  }
0x1b1: {  	[tilespmem:s30], [sflag:$0x1] =	stream.indirect_vreg.gather [hbm4b:s6+s3], $0x80, v3, vm0, $0xb8;
	[tilespmem:$0xF080] =	vst v63  }
0x1b2: {  	_ =	swait.ge [sflag:s15], $0xF000  }
0x1b3: {  	p0 =	sne.s32 s7, $0x1;
	[sflag:s15] =	ssyncset.done $0x0  }
.Ltmp0:
0x1b4: {  	s31 =	rddreg [dreg:$0xa];
	[sflag:s15] =	ssyncadd.s32 $0xFFFF1000;
	(pc) =	sbr.rel @p0 .LBB2_1-.Ltmp0, $4  }
0x1b5: {  	[hbm4b:s31+s3] =	stream.linear.scatter [tilespmem:s25], [sflag:$0x2], $0xF000, $0x38;
	[tilespmem:$0xF080] =	vst v63  }
0x1b6: {  	_ =	swait.ge [sflag:s8], $0xF000  }
0x1b7: {  	[sflag:s8] =	ssyncset.done $0x0  }
0x1b8: {  	s7 =	sadd.s32 $0xFFFFFFFF, s7;
	[sflag:s8] =	ssyncadd.s32 $0xFFFF1000  }
0x1b9: {  	_ =	sfence.sel $0x180000  }
0x1ba: {  	[bflag:$0x0] =	sbarrier.arrive $0xFFFF  }
0x1bb: {  	_ =	strace $0x9000004A  }
0x1bc: {  	s0 =	stileid.u32;
	[bflag:$0x2] =	sbarrier.arrive $0xFFFF  }
0x1bd: {  	p0 =	sne.s32 s0, $0x0;
	s0 =	rddreg [dreg:$0x3]  }
0x1be: {  	s0 =	sadd.s32 @!p0 $0x100000, s0  }
0x1bf: {  	[sflag:s0] =	ssyncadd.tile.s32 @!p0 $0x1;
	_ =	shalt  }
.Lfunc_end2:
_tile_overlayer_lowered:
.L_overlay_start_2:
0x1c0: {  	(tag) =	ssettag $0x2  }
0x1c1: {  	s0 =	rddreg [dreg:$0x0];
	s2 =	stileid.u32  }
0x1c2: {  	s1 =	rddreg [dreg:$0x1];
	p0 =	sne.s32 s2, $0x0  }
0x1c3: {  	s3 =	rddreg [dreg:$0x2];
	[bflag:$0x3] =	sbarrier.arrive $0xFFFF;
	s2 =	simm.s32 @!p0 $0x1C02  }
0x1c4: {  	[timem:s3], [sflag:s2] =	dma.local @!p0 [hbm:s0], s1  }
0x1c5: {  	s0 =	simm.s32 @!p0 $0x2  }
0x1c6: {  	_ =	swait.ge @!p0 [sflag:s0], s1  }
0x1c7: {  	s1 =	ssub.s32 @!p0 $0x0, s1;
	[sflag:s0] =	ssyncset.done @!p0 $0x0  }
0x1c8: {  	[sflag:s0] =	ssyncadd.s32 @!p0 s1  }
0x1c9: {  	[bflag:$0x3] =	sbarrier.arrive $0xFFFF  }
0x1ca: {  	_ =	shalt  }

// kernel: kernel.9.cloned.1.call-start
scs
__scs_entry_jumppad:
0x0: {  	(pc) =	sbr.rel $0x88, $3  }
0x1: {  	(tag) =	ssettag $0x0;
	lr =	simm.s32 $0x1  }
0x2: {  	[smem:$0x3F95] =	sst lr;
	_ =	strace $0xD0000000  }
0x3: {  	_ = 	snop  }
0x4: {  	_ = 	snop  }
0x5: {  	_ = 	snop  }
0x6: {  	_ = 	snop  }
0x7: {  	_ = 	snop  }
__scs_overlays_trampoline_lowered:
0x8: {  	[smem:$0x3FA4] =	sst s0  }
0x9: {  	[smem:$0x3FA5] =	sst s1  }
0xa: {  	[smem:$0x3FA6] =	sst s2  }
0xb: {  	[smem:$0x3FA7] =	sst s3  }
0xc: {  	[smem:$0x3FA8] =	sst s4  }
0xd: {  	[smem:$0x3FA9] =	sst s5  }
0xe: {  	[smem:$0x3FAA] =	sst s6  }
0xf: {  	[smem:$0x3FAB] =	sst s7  }
0x10: {  	[smem:$0x3FAC] =	sst s8  }
0x11: {  	[smem:$0x3FAD] =	sst s9;
	s0 =	simm.s32 @!p0 $0x0  }
0x12: {  	s1 =	sld [smem:$0x3F93];
	s0 =	simm.s32 @p0 $0x1  }
0x13: {  	[smem:$0x3FAE] =	sst s0;
	s0 =	simm.s32 @!p1 $0x0  }
0x14: {  	s2 =	sld [smem:$0x3F92];
	s0 =	simm.s32 @p1 $0x1  }
0x15: {  	[smem:$0x3FAF] =	sst s0;
	s0 =	simm.s32 @!p2 $0x0  }
0x16: {  	s3 =	sld [smem:$0x3FDB];
	s0 =	simm.s32 @p2 $0x1  }
0x17: {  	s4 =	simm.s32 $0x1BF5;
	[smem:$0x3FB1] =	sst s0  }
0x18: {  	s0 =	sld [smem:$0x3F94];
	_ =	swait.ge [sflag:s4], $0x0  }
0x19: {  	s7 =	sld [smem:$0x3F95]  }
0x1a: {  	s8 =	sadd.s32 $0xFFFFE003, lr  }
0x1b: {  	s9 =	sadd.s32 $0xFFFFFEF7, lr;
	s5 =	simm.s32 $0xFFFFFFFF;
	p2 =	slt.u32 s8, $0xFFFFF086  }
0x1c: {  	p1 =	slt.u32 s9, $0xF7A;
	s5 =	simm.s32 @!p2 $0x0  }
0x1d: {  	s5 =	simm.s32 @p1 $0x1;
	p0 =	seq.s32 s7, s2  }
0x1e: {  	s7 =	smul.u32 @!p0 $0xF7A, s2;
	p2 =	seq.s32 @!p0 s5, $0x0  }
0x1f: {  	s9 =	smul.u32 $0xF7A, s1;
	s8 =	simm.s32 @!p0 $0x1BF5;
	p2 =	por !p2, p0  }
0x20: {  	[sflag:s8] =	ssyncset.s32 @!p0 $0xFFFFF086;
	s6 =	sadd.s32 @!p0 s3, s7;
	s7 =	simm.s32 @!p0 $0x108  }
0x21: {  	s3 =	sadd.s32 s3, s9;
	s6 =	sadd.s32 @!p0 $0x88, s6;
	s7 =	simm.s32 @p2 $0x1082  }
0x22: {  	[simem:s7], [sflag:s8] =	dma.local @!p0 [hbm:s6], $0xF7A  }
0x23: {  	s9 =	sor.u32 $0xD0000000, s2;
	s6 =	simm.s32 $0x108;
	_ =	swait.ge @!p0 [sflag:s8], $0x0  }
0x24: {  	s3 =	sadd.s32 $0x88, s3;
	s6 =	simm.s32 @!p1 $0x1082;
	[sflag:s4] =	ssyncset.s32 $0xFFFFF086  }
0x25: {  	[simem:s6], [sflag:s4] =	dma.local [hbm:s3], $0xF7A  }
0x26: {  	[smem:$0x3F95] =	sst s1;
	(tag) =	ssettag s2;
	_ =	strace s9  }
0x27: {  	s1 =	sld [smem:$0x3FA5]  }
0x28: {  	s2 =	sld [smem:$0x3FA6]  }
0x29: {  	s4 =	sld [smem:$0x3FA8]  }
0x2a: {  	p0 =	seq.s32 s5, $0x0;
	s5 =	sld [smem:$0x3FA9]  }
0x2b: {  	s6 =	sld [smem:$0x3FAA]  }
0x2c: {  	s7 =	sld [smem:$0x3FAB]  }
0x2d: {  	s3 =	simm.s32 $0x108;
	s8 =	sld [smem:$0x3FAC]  }
0x2e: {  	s3 =	simm.s32 @!p0 $0x1082;
	s9 =	sld [smem:$0x3FAD]  }
0x2f: {  	lr =	sadd.s32 s0, s3;
	s0 =	sld [smem:$0x3FA4]  }
0x30: {  	s3 =	sld [smem:$0x3FA7]  }
0x31: {  	[smem:$0x3FB0] =	sst s10  }
0x32: {  	s10 =	sld [smem:$0x3FAE];
	_ =	sdelay $0x3  }
0x33: {  	p0 =	seq.s32 s10, $0x1;
	s10 =	sld [smem:$0x3FB0];
	_ =	sdelay $0x3  }
0x34: {  	[smem:$0x3FB0] =	sst s10  }
0x35: {  	s10 =	sld [smem:$0x3FAF];
	_ =	sdelay $0x3  }
0x36: {  	p1 =	seq.s32 s10, $0x1;
	s10 =	sld [smem:$0x3FB0];
	_ =	sdelay $0x3  }
0x37: {  	[smem:$0x3FB0] =	sst s10  }
0x38: {  	s10 =	sld [smem:$0x3FB1]  }
0x39: {  	_ = 	snop;
	(pc) =	sbr.ind lr, $3  }
0x3a: {  	_ = 	snop  }
0x3b: {  	_ = 	snop  }
0x3c: {  	p2 =	seq.s32 s10, $0x1;
	s10 =	sld [smem:$0x3FB0]  }
0x3d: {  	_ =	shalt  }
0x3e: {  	_ =	shalt  }
0x3f: {  	_ =	shalt  }
0x40: {  	_ =	shalt  }
0x41: {  	_ =	shalt  }
0x42: {  	_ =	shalt  }
0x43: {  	_ =	shalt  }
0x44: {  	_ =	shalt  }
0x45: {  	_ =	shalt  }
0x46: {  	_ =	shalt  }
0x47: {  	_ =	shalt  }
0x48: {  	_ =	shalt  }
0x49: {  	_ =	shalt  }
0x4a: {  	_ =	shalt  }
0x4b: {  	_ =	shalt  }
0x4c: {  	_ =	shalt  }
0x4d: {  	_ =	shalt  }
0x4e: {  	_ =	shalt  }
0x4f: {  	_ =	shalt  }
0x50: {  	_ =	shalt  }
0x51: {  	_ =	shalt  }
0x52: {  	_ =	shalt  }
0x53: {  	_ =	shalt  }
0x54: {  	_ =	shalt  }
0x55: {  	_ =	shalt  }
0x56: {  	_ =	shalt  }
0x57: {  	_ =	shalt  }
0x58: {  	_ =	shalt  }
0x59: {  	_ =	shalt  }
0x5a: {  	_ =	shalt  }
0x5b: {  	_ =	shalt  }
0x5c: {  	_ =	shalt  }
0x5d: {  	_ =	shalt  }
0x5e: {  	_ =	shalt  }
0x5f: {  	_ =	shalt  }
0x60: {  	_ =	shalt  }
0x61: {  	_ =	shalt  }
0x62: {  	_ =	shalt  }
0x63: {  	_ =	shalt  }
0x64: {  	_ =	shalt  }
0x65: {  	_ =	shalt  }
0x66: {  	_ =	shalt  }
0x67: {  	_ =	shalt  }
0x68: {  	_ =	shalt  }
0x69: {  	_ =	shalt  }
0x6a: {  	_ =	shalt  }
0x6b: {  	_ =	shalt  }
0x6c: {  	_ =	shalt  }
0x6d: {  	_ =	shalt  }
0x6e: {  	_ =	shalt  }
0x6f: {  	_ =	shalt  }
0x70: {  	_ =	shalt  }
0x71: {  	_ =	shalt  }
0x72: {  	_ =	shalt  }
0x73: {  	_ =	shalt  }
0x74: {  	_ =	shalt  }
0x75: {  	_ =	shalt  }
0x76: {  	_ =	shalt  }
0x77: {  	_ =	shalt  }
0x78: {  	_ =	shalt  }
0x79: {  	_ =	shalt  }
0x7a: {  	_ =	shalt  }
0x7b: {  	_ =	shalt  }
0x7c: {  	_ =	shalt  }
0x7d: {  	_ =	shalt  }
0x7e: {  	_ =	shalt  }
0x7f: {  	_ =	shalt  }
0x80: {  	_ =	shalt  }
0x81: {  	_ =	shalt  }
0x82: {  	_ =	shalt  }
0x83: {  	_ =	shalt  }
0x84: {  	_ =	shalt  }
0x85: {  	_ =	shalt  }
0x86: {  	_ =	shalt  }
0x87: {  	_ =	shalt  }
.Lfunc_end0:
.L_simem_size_0:
called_computation_lowered:
.L_overlay_start_0:
0x88: {  	s2 =	sld [smem:$0x3FD9]  }
0x89: {  	s3 =	sld [smem:$0x3FFE];
	_ =	sdelay $0x1  }
0x8a: {  	s1 =	srdreg.scid  }
0x8b: {  	s0 =	sand.u32 $0x1, s1  }
0x8c: {  	s14 =	sshll.u32 s0, $0xA;
	s2 =	sadd.s32 s3, s2  }
0x8d: {  	s2 =	sadd.s32 s2, s14  }
0x8e: {  	[smem:$0x3FBC] =	sst s2  }
0x8f: {  	_ = 	snop  }
0x90: {  	s2 =	sld [smem:$0x3FD0];
	_ =	sdelay $0x2  }
0x91: {  	s15 =	simm.s32 $0xA;
	s4 =	simm.s32 $0x10  }
0x92: {  	[smem:s4], [sflag:s15] =	dma.local [hbm:s2], $0x1  }
0x93: {  	_ =	swait.eq [sflag:s15], $0x1  }
0x94: {  	[sflag:s15] =	ssyncset.done $0x0  }
0x95: {  	[sflag:s15] =	ssyncadd.s32 $0xFFFFFFFF  }
0x96: {  	s16 =	sld [smem:$0x13];
	(tm) =	ssettm $0x1  }
0x97: {  	s17 =	sld [smem:$0x3FFB];
	_ =	sdelay $0x3  }
0x98: {  	_ =	strace s17  }
0x99: {  	s3 =	sld [smem:$0x3FFC];
	_ =	sdelay $0x3  }
0x9a: {  	_ =	strace s3  }
0x9b: {  	s3 =	sld [smem:$0x3FFD];
	_ =	sdelay $0x3  }
0x9c: {  	_ =	strace s3  }
0x9d: {  	_ =	strace $0x8FFFFFFF  }
0x9e: {  	s18 =	sld [smem:$0x3FDB];
	_ =	sdelay $0x1  }
0x9f: {  	s19 =	simm.s32 $_scs_section_size  }
0xa0: {  	s5 =	simm.s32 $_size__tile_overlayer_lowered;
	s6 =	simm.s32 $_tile_overlayer_lowered  }
0xa1: {  	s22 =	simm.s32 $0x1BFF;
	s21 =	sshll.u32 s6, $0x1;
	s3 =	sadd.s32 s19, s18  }
0xa2: {  	s7 =	simm.s32 $0x0;
	s20 =	sshll.u32 s5, $0x1;
	s5 =	sadd.s32 s21, s3  }
0xa3: {  	[timem:s7], [sflag:s22] =	dma.local [hbm:s5], s20  }
0xa4: {  	_ =	swait.ge [sflag:s22], s20  }
0xa5: {  	s4 =	ssub.s32 $0x0, s20;
	[sflag:s22] =	ssyncset.done $0x0  }
0xa6: {  	[sflag:s22] =	ssyncadd.s32 s4;
	_ =	sdelay $0x1  }
0xa7: {  	s23 =	simm.s32 $0x1B8B  }
0xa8: {  	_ =	swait.ge [sflag:s23], $0x1  }
0xa9: {  	[sflag:s23] =	ssyncset.done $0x0  }
0xaa: {  	s25 =	simm.s32 $0x1B8E;
	s24 =	sld [smem:$0x3FFE];
	[sflag:s23] =	ssyncadd.s32 $0xFFFFFFFF  }
0xab: {  	s26 =	simm.s32 $execute0_lowered;
	[smem:$0x3FD2] =	sst s25  }
0xac: {  	s5 =	sshll.u32 s26, $0x1;
	_ =	strace $0x80000046;
	[dreg:$0x1] =	wrdreg $0xFFFFFFFF  }
0xad: {  	s28 =	simm.s32 $_size_execute0_lowered;
	s3 =	sadd.s32 s3, s5;
	[dreg:$0x0] =	wrdreg $0x0  }
0xae: {  	s5 =	sshll.u32 s28, $0x1;
	[dreg:$0x2] =	wrdreg s3  }
0xaf: {  	[dreg:$0x3] =	wrdreg s5  }
0xb0: {  	[dreg:$0x4] =	wrdreg $0xC0  }
0xb1: {  	_ =	task [dreg:s7], $0x5FFFF  }
0xb2: {  	[dreg:$0x1] =	wrdreg $0xFFFFFFFF  }
0xb3: {  	[dreg:$0x0] =	wrdreg $0x60  }
0xb4: {  	[dreg:$0x2] =	wrdreg s24  }
0xb5: {  	[dreg:$0x3] =	wrdreg s16  }
0xb6: {  	[dreg:$0x4] =	wrdreg $0x9  }
0xb7: {  	_ =	task.clear_ibuf [dreg:s7], $0x5FFFF;
	_ =	strace $0x90000046  }
0xb8: {  	s29 =	simm.s32 $0x9;
	_ =	strace $0x80000048  }
0xb9: {  	_ =	swait.ge [sflag:s29], $0x1  }
0xba: {  	[sflag:s29] =	ssyncadd.s32 $0xFFFFFFFF  }
0xbb: {  	_ =	strace $0x90000048  }
0xbc: {  	_ =	sfence  }
0xbd: {  	s30 =	sld [smem:$0x0];
	_ =	sdelay $0x2  }
0xbe: {  	s31 =	sshll.u32 s1, $0xD;
	s1 =	sshrl.u32 s1, $0x2  }
0xbf: {  	s3 =	sand.u32 $0x4000, s31;
	s1 =	sadd.s32 s1, s30  }
0xc0: {  	s0 =	sor.u32 s3, s0;
	s1 =	sshll.u32 s1, $0x11  }
0xc1: {  	s0 =	sor.u32 s1, s0  }
0xc2: {  	s0 =	sadd.s32 $0x8F2B, s0  }
0xc3: {  	[sflag:s0] =	ssyncadd.remote.s32 $0x1  }
0xc4: {  	_ =	sfence.sel $0xFFFF  }
0xc5: {  	[dreg:$0x0] =	wrdreg $0xFFFFFFFF;
	(pc) =	sbr.abs _section_cstart, $3  }
0xc6: {  	[dreg:$0x1] =	wrdreg $0xFFFFFFFF  }
0xc7: {  	_ =	task.clear_ibuf [dreg:s7], $0x2FFFF;
	_ =	strace $0x9FFFFFFF  }
0xc8: {  	(tm) =	ssettm $0x7FFFFFFF  }
0xc9: {  	_ =	shalt  }
tec
execute0_lowered:
.L_overlay_start_1:
0x0: {  	(tag) =	ssettag $0x1  }
0x1: {  	s1 =	srdreg.scid  }
0x2: {  	s0 =	stileid.u32;
	s9 =	rddreg [dreg:$0x0]  }
0x3: {  	s3 =	rddreg [dreg:$0x1];
	s6 =	sand.u32 $0x1, s1;
	s30 =	sshll.u32 s0, $0x1  }
0x4: {  	s2 =	simm.s32 $0x0;
	s1 =	rddreg [dreg:$0x2];
	s7 =	sor.u32 s6, s30  }
0x5: {  	s8 =	simm.s32 $0x1;
	[smem:$0x7FF] =	sst s2;
	s4 =	smul.u32 $0x28, s7  }
0x6: {  	s5 =	sadd.s32 $0x1D3200, s9;
	_ =	strace $0x80000047;
	s11 =	ssub.s32 $0x2, s6  }
0x7: {  	s6 =	simm.s32 $0x140;
	s4 =	sadd.s32 s3, s4;
	s3 =	simm.s32 $0x2  }
0x8: {  	[tilespmem:s2], [sflag:$0x2] =	stream.linear.gather [hbm4b:s4+s2], $0x140, $0x38;
	[tilespmem:$0xA180] =	vst v63  }
0x9: {  	s10 =	smul.u32 $0x1400, s7;
	s12 =	sshrl.u32 s11, $0x1;
	_ =	swait.ge [sflag:s3], $0x140  }
0xa: {  	s7 =	simm.s32 $0x180;
	s31 =	ssub.s32 s11, s12;
	[sflag:s3] =	ssyncset.done $0x0  }
0xb: {  	s9 =	sadd.s32 s10, s9;
	s10 =	smax.u32 s31, $0x1;
	[sflag:s3] =	ssyncadd.s32 $0xFFFFFEC0  }
0xc: {  	[tilespmem:s7], [sflag:$0x1] =	stream.indirect.gather [hbm4b:s5+s6], $0x80, s2, s6, $0xb8;
	[tilespmem:$0xA180] =	vst v63  }
0xd: {  	p0 =	sne.s32 s10, $0x1;
	_ =	swait.ge [sflag:s8], $0xA000  }
.Ltmp0:
0xe: {  	[sflag:s8] =	ssyncset.done $0x0;
	(pc) =	sbr.rel @!p0 .LBB2_2-.Ltmp0, $4  }
0xf: {  	s9 =	sadd.s32 $0x4B200, s9;
	[sflag:s8] =	ssyncadd.s32 $0xFFFF6000  }
0x10: {  	[hbm4b:s9+s2] =	stream.linear.scatter [tilespmem:s7], [sflag:$0x2], $0xA000, $0x38;
	[tilespmem:$0xA180] =	vst v63  }
0x11: {  	_ =	swait.ge [sflag:s3], $0xA000  }
0x12: {  	s10 =	sadd.s32 $0xFFFFFFFF, s10;
	[sflag:s3] =	ssyncset.done $0x0  }
.LBB2_1:
0x13: {  	p0 =	sne.s32 s10, $0x1;
	s10 =	sadd.s32 $0xFFFFFFFF, s10;
	[sflag:s3] =	ssyncadd.s32 $0xFFFF6000  }
0x14: {  	[tilespmem:s2], [sflag:$0x2] =	stream.linear.gather [hbm4b:s4+s2], $0x140, $0x38;
	[tilespmem:$0xA180] =	vst v63  }
0x15: {  	_ =	swait.ge [sflag:s3], $0x140  }
0x16: {  	[sflag:s3] =	ssyncset.done $0x0  }
0x17: {  	[sflag:s3] =	ssyncadd.s32 $0xFFFFFEC0  }
0x18: {  	[tilespmem:s7], [sflag:$0x1] =	stream.indirect.gather [hbm4b:s5+s6], $0x80, s2, s6, $0xb8;
	[tilespmem:$0xA180] =	vst v63  }
0x19: {  	_ =	swait.ge [sflag:s8], $0xA000  }
.Ltmp1:
0x1a: {  	[sflag:s8] =	ssyncset.done $0x0;
	(pc) =	sbr.rel @p0 .LBB2_1-.Ltmp1, $4  }
0x1b: {  	[sflag:s8] =	ssyncadd.s32 $0xFFFF6000  }
0x1c: {  	[hbm4b:s9+s2] =	stream.linear.scatter [tilespmem:s7], [sflag:$0x2], $0xA000, $0x38;
	[tilespmem:$0xA180] =	vst v63  }
0x1d: {  	_ =	swait.ge [sflag:s3], $0xA000  }
0x1e: {  	[sflag:s3] =	ssyncset.done $0x0  }
.LBB2_2:
0x1f: {  	[sflag:s3] =	ssyncadd.s32 $0xFFFF6000  }
0x20: {  	_ =	sfence.sel $0x180000  }
0x21: {  	[bflag:$0x0] =	sbarrier.arrive $0xFFFF  }
0x22: {  	p0 =	sne.s32 s0, $0x0;
	_ =	strace $0x90000047  }
0x23: {  	s0 =	sadd.s32 @!p0 $0x100000, s1;
	[bflag:$0x2] =	sbarrier.arrive $0xFFFF  }
0x24: {  	[sflag:s0] =	ssyncadd.tile.s32 @!p0 $0x1;
	_ =	shalt  }
.Lfunc_end2:
_tile_overlayer_lowered:
.L_overlay_start_2:
0x25: {  	(tag) =	ssettag $0x2  }
0x26: {  	s0 =	rddreg [dreg:$0x0];
	s2 =	stileid.u32  }
0x27: {  	s1 =	rddreg [dreg:$0x1];
	p0 =	sne.s32 s2, $0x0  }
0x28: {  	s3 =	rddreg [dreg:$0x2];
	[bflag:$0x3] =	sbarrier.arrive $0xFFFF;
	s2 =	simm.s32 @!p0 $0x1C02  }
0x29: {  	[timem:s3], [sflag:s2] =	dma.local @!p0 [hbm:s0], s1  }
0x2a: {  	s0 =	simm.s32 @!p0 $0x2  }
0x2b: {  	_ =	swait.ge @!p0 [sflag:s0], s1  }
0x2c: {  	s1 =	ssub.s32 @!p0 $0x0, s1;
	[sflag:s0] =	ssyncset.done @!p0 $0x0  }
0x2d: {  	[sflag:s0] =	ssyncadd.s32 @!p0 s1  }
0x2e: {  	[bflag:$0x3] =	sbarrier.arrive $0xFFFF  }
0x2f: {  	_ =	shalt  }

</sc_bundles>
